<compile_context>
chip_gen: v7x
topology: tpu7x:2x2x1
jax: 0.10.2.dev20260603
libtpu: 0.0.44.dev20260713+nightly
codegen_flags: <defaults>
</compile_context>

<pallas_src>
import functools

import jax
import jax.numpy as jnp
from jax import lax
from jax.experimental import pallas as pl
from jax.experimental.pallas import tpu as pltpu
from jax.experimental.pallas import tpu_sc as plsc

CAP = 1_000_000
D = 64
K = 8
NWR = 16384
NQ = 16
DECAY = 0.02

SP = 1_000_448
CH = SP // 16
QCH = CH // 4
WCH = NWR // 16

BLK = 8000
NB = CAP // BLK
NEG = -1e30


def _sc_mark(idx, expect):
    mesh = plsc.VectorSubcoreMesh(core_axis_name="c", subcore_axis_name="s")

    @functools.partial(
        pl.kernel,
        mesh=mesh,
        out_type=[
            jax.ShapeDtypeStruct((SP,), jnp.float32),
            jax.ShapeDtypeStruct((NWR,), jnp.float32),
        ],
        scratch_types=[
            pltpu.VMEM((QCH,), jnp.float32),
            pltpu.VMEM((NWR,), jnp.int32),
            pltpu.VMEM((NWR,), jnp.float32),
            pltpu.VMEM((WCH,), jnp.int32),
            pltpu.VMEM((WCH,), jnp.float32),
            pltpu.VMEM((WCH,), jnp.float32),
            pltpu.SemaphoreType.DMA,
        ],
    )
    def k(idx_hbm, exp_hbm, ord_hbm, valid_hbm,
          zbuf, idx_all, exp_all, idxc, gbuf, ebuf, sem):
        cid = lax.axis_index("c")
        sid = lax.axis_index("s")

        @pl.when(cid == 0)
        def _work():
            def zb(t, c):
                zbuf[pl.ds(t * 16, 16)] = jnp.zeros((16,), jnp.float32)
                return c
            lax.fori_loop(0, QCH // 16, zb, 0)
            base = sid * CH

            def cq(q, c):
                pltpu.sync_copy(zbuf, ord_hbm.at[pl.ds(base + q * QCH, QCH)])
                return c
            lax.fori_loop(0, 4, cq, 0)
            plsc.subcore_barrier()

            @pl.when(sid == 0)
            def _scatter():
                pltpu.sync_copy(idx_hbm, idx_all)
                pltpu.sync_copy(exp_hbm, exp_all)
                pltpu.async_copy(exp_all, ord_hbm.at[idx_all], sem).wait()
            plsc.subcore_barrier()

            wbase = sid * WCH
            pltpu.sync_copy(idx_hbm.at[pl.ds(wbase, WCH)], idxc)
            pltpu.async_copy(ord_hbm.at[idxc], gbuf, sem).wait()
            pltpu.sync_copy(exp_hbm.at[pl.ds(wbase, WCH)], ebuf)

            def vv(t, c):
                g = gbuf[pl.ds(t * 16, 16)]
                e = ebuf[pl.ds(t * 16, 16)]
                ebuf[pl.ds(t * 16, 16)] = jnp.where(
                    g == e, jnp.float32(1.0), jnp.float32(0.0))
                return c
            lax.fori_loop(0, WCH // 16, vv, 0)
            pltpu.sync_copy(ebuf, valid_hbm.at[pl.ds(wbase, WCH)])

    return k(idx, expect)


def _tc_body(query_ref, val_ref, valid_ref, mem_ref, wm_ref, st_ref,
             retr_ref, tops_ref, str3_ref, qn_ref, rv_ref, rr_ref):
    i = pl.program_id(0)
    wm = wm_ref[0, 0, :]
    str3_ref[0, 0, :] = jnp.where(
        wm > 0.5, jnp.float32(1.0 - DECAY), st_ref[0, 0, :] * (1.0 - DECAY))

    def extract8(ext, rows_of_bulk):
        iota = lax.broadcasted_iota(jnp.int32, ext.shape, 1)
        vals, ohs = [], []
        for _ in range(K):
            m = jnp.max(ext, axis=1)
            am = jnp.min(jnp.where(ext == m[:, None], iota, jnp.int32(1 << 30)),
                         axis=1)
            ohs.append((iota == am[:, None]).astype(jnp.float32))
            vals.append(m)
            ext = jnp.where(iota == am[:, None], NEG, ext)
        rows3 = rows_of_bulk(jnp.concatenate(ohs, axis=0))
        rv_ref[...] = jnp.stack(vals, axis=1)
        rr_ref[...] = jnp.transpose(rows3, (1, 0, 2))

    @pl.when(i == 0)
    def _init():
        q = query_ref[...]
        qn = q / (jnp.sqrt(jnp.sum(q * q, axis=1, keepdims=True)) + 1e-12)
        qn_ref[...] = qn
        val = val_ref[...]
        scale = 1.0 / (jnp.sqrt(jnp.sum(val * val, axis=1)) + 1e-12)
        ws = jnp.dot(qn, val.T, preferred_element_type=jnp.float32)
        ws = ws * scale[None, :]
        ws = jnp.where(valid_ref[0, :][None, :] > 0.5, ws, NEG)
        mem0 = mem_ref[...]
        sims0 = jnp.dot(qn, mem0.T, preferred_element_type=jnp.float32)
        sims0 = jnp.where(wm[None, :] > 0.5, NEG, sims0)
        ext = jnp.concatenate([sims0, ws], axis=1)

        def rows_of_bulk(oh):
            rows = (jnp.dot(oh[:, :BLK], mem0,
                            preferred_element_type=jnp.float32)
                    + jnp.dot(oh[:, BLK:] * scale[None, :], val,
                              preferred_element_type=jnp.float32))
            return rows.reshape(K, NQ, D)
        extract8(ext, rows_of_bulk)

    @pl.when(i > 0)
    def _scan():
        qn = qn_ref[...]
        memb = mem_ref[...]
        sims = jnp.dot(qn, memb.T, preferred_element_type=jnp.float32)
        sims = jnp.where(wm[None, :] > 0.5, NEG, sims)
        prev_v = rv_ref[...]
        prev_r = rr_ref[...]
        ext = jnp.concatenate([prev_v, sims], axis=1)

        def rows_of_bulk(oh):
            rows = jnp.dot(oh[:, K:], memb,
                           preferred_element_type=jnp.float32).reshape(K, NQ, D)
            oh_r = oh[:, :K].reshape(K, NQ, K)
            for t in range(K):
                rows = rows + oh_r[:, :, t][:, :, None] * prev_r[None, :, t, :]
            return rows
        extract8(ext, rows_of_bulk)

    @pl.when(i == NB - 1)
    def _fin():
        tv = rv_ref[...]
        e = jnp.exp(tv - jnp.max(tv, axis=1, keepdims=True))
        w = e / jnp.sum(e, axis=1, keepdims=True)
        tops_ref[...] = tv
        retr_ref[...] = jnp.sum(w[:, :, None] * rr_ref[...], axis=1)


def kernel(mem, strengths, idx, val, query):
    expect = jnp.arange(NWR, dtype=jnp.float32) + 2.0
    marker, valid = _sc_mark(idx, expect)
    wm = marker[:CAP].reshape(NB, 1, BLK)
    st = strengths.reshape(NB, 1, BLK)

    retrieved, tops, str3 = pl.pallas_call(
        _tc_body,
        grid=(NB,),
        in_specs=[
            pl.BlockSpec((NQ, D), lambda i: (0, 0)),
            pl.BlockSpec((NWR, D), lambda i: (0, 0)),
            pl.BlockSpec((1, NWR), lambda i: (0, 0)),
            pl.BlockSpec((BLK, D), lambda i: (i, 0)),
            pl.BlockSpec((1, 1, BLK), lambda i: (i, 0, 0)),
            pl.BlockSpec((1, 1, BLK), lambda i: (i, 0, 0)),
        ],
        out_specs=[
            pl.BlockSpec((NQ, D), lambda i: (0, 0)),
            pl.BlockSpec((NQ, K), lambda i: (0, 0)),
            pl.BlockSpec((1, 1, BLK), lambda i: (i, 0, 0)),
        ],
        out_shape=[
            jax.ShapeDtypeStruct((NQ, D), jnp.float32),
            jax.ShapeDtypeStruct((NQ, K), jnp.float32),
            jax.ShapeDtypeStruct((NB, 1, BLK), jnp.float32),
        ],
        scratch_shapes=[
            pltpu.VMEM((NQ, D), jnp.float32),
            pltpu.VMEM((NQ, K), jnp.float32),
            pltpu.VMEM((NQ, K, D), jnp.float32),
        ],
        compiler_params=pltpu.CompilerParams(
            dimension_semantics=("arbitrary",)),
    )(query, val, valid.reshape(1, NWR), mem, wm, st)

    return retrieved, tops, str3.reshape(CAP)

# --- scband reference (transcript-rebuilt; emitter-appended) ---
"""Pipeline reference for scband-hierarchical-memory-65120294142534 (READ-ONLY COPY).

The authoritative reference and input builder live on the scoring server;
editing this copy changes nothing except your own understanding.
"""

import jax, jax.numpy as jnp
import numpy as np

CAPACITY = 1000000
PATTERN_DIM = 64
TOP_K = 8
DECAY = 0.02
N_WRITES = 16384
N_QUERIES = 16


def setup_inputs(seed: int = 0) -> dict:
    key = jax.random.key(seed)
    k1, k2, k3, k4, k5 = jax.random.split(key, 5)
    mem = jax.random.normal(k1, (CAPACITY, PATTERN_DIM), dtype=jnp.float32)
    mem = mem / (jnp.linalg.norm(mem, axis=-1, keepdims=True) + 1e-12)
    strengths = jax.random.uniform(k2, (CAPACITY,), dtype=jnp.float32)
    idx = jax.random.randint(k3, (N_WRITES,), 0, CAPACITY, dtype=jnp.int32)
    val = jax.random.normal(k4, (N_WRITES, PATTERN_DIM), dtype=jnp.float32)
    query = jax.random.normal(k5, (N_QUERIES, PATTERN_DIM), dtype=jnp.float32)
    return {"mem": mem, "strengths": strengths, "idx": idx, "val": val, "query": query}


def reference(mem, strengths, idx, val, query):
    # --- store(): L2-normalize incoming patterns, scatter-overwrite into memory ---
    vnorm = val / (jnp.linalg.norm(val, axis=-1, keepdims=True) + 1e-12)
    mem2 = mem.at[idx].set(vnorm)
    # store() sets strength of written slots to 1.0
    str2 = strengths.at[idx].set(1.0)
    # --- apply_decay(rate=0.02): slow multiplicative decay of strengths ---
    str3 = str2 * (1.0 - DECAY)
    # --- retrieve(): normalized query, cosine sims against all stored patterns ---
    qn = query / (jnp.linalg.norm(query, axis=-1, keepdims=True) + 1e-12)
    sims = qn @ mem2.T  # [Q, M]
    top_sims, top_idx = jax.lax.top_k(sims, TOP_K)  # [Q, K]
    # gather top-k episodes and form a similarity-weighted readout
    gathered = mem2[top_idx]  # [Q, K, d]
    w = jax.nn.softmax(top_sims, axis=-1)
    retrieved = jnp.einsum('qk,qkd->qd', w, gathered)  # [Q, d]
    return retrieved, top_sims, str3

if __name__ == "__main__":
    import jax
    _d = setup_inputs()
    print(jax.jit(kernel)(*tuple(_d.values())))

</pallas_src>

<mosaic_0001>
#map = affine_map<(d0, d1) -> (0)>
module attributes {stable_mosaic.version = 14 : i64} {
  func.func @k(%arg0: i32, %arg1: i32, %arg2: memref<16384xi32, #tpu.memory_space<hbm>>, %arg3: memref<16384xf32, #tpu.memory_space<hbm>>, %arg4: memref<1000448xf32, #tpu.memory_space<hbm>>, %arg5: memref<16384xf32, #tpu.memory_space<hbm>>, %arg6: memref<15632xf32, #tpu.memory_space<vmem>>, %arg7: memref<16384xi32, #tpu.memory_space<vmem>>, %arg8: memref<16384xf32, #tpu.memory_space<vmem>>, %arg9: memref<1024xi32, #tpu.memory_space<vmem>>, %arg10: memref<1024xf32, #tpu.memory_space<vmem>>, %arg11: memref<1024xf32, #tpu.memory_space<vmem>>, %arg12: memref<!tpu.dma_semaphore, #tpu.memory_space<semaphore_mem>>) attributes {dimension_semantics = [#tpu.dimension_semantics<core_parallel>, #tpu.dimension_semantics<subcore_parallel>], iteration_bounds = array<i64: 2, 16>, scalar_prefetch = 0 : i64, scratch_operands = 7 : i64, tpu.core_type = #tpu.core_type<sc_vector_subcore>, window_params = [{transform_indices = #map}, {transform_indices = #map}, {transform_indices = #map}, {transform_indices = #map}]} {
    %eq3A = arith.constant 0 : i32
    %eq3A_0 = arith.cmpi eq, %arg0, %eq3A : i32
    %convert_element_type3A = arith.extui %eq3A_0 : i1 to i32
    %cond3A = arith.constant 0 : i32
    %cond3A_1 = arith.cmpi ne, %convert_element_type3A, %cond3A : i32
    scf.if %cond3A_1 {
      %scan3A = arith.constant 0 : i32
      %scan3A_2 = arith.constant 0 : i32
      %scan3A_3 = arith.constant 977 : i32
      %scan3A_4 = arith.addi %scan3A_2, %scan3A_3 : i32
      %scan3A_5 = arith.constant 1 : i32
      scf.for %scan3A_30 = %scan3A_2 to %scan3A_4 step %scan3A_5  : i32 {
        %broadcast_in_dim3A = arith.constant 0.000000e+00 : f32
        %broadcast_in_dim3A_31 = vector.broadcast %broadcast_in_dim3A : f32 to vector<16xf32>
        %mul3A_32 = arith.constant 16 : i32
        %mul3A_33 = arith.muli %scan3A_30, %mul3A_32 : i32
        %swap3A = arith.index_cast %mul3A_33 : i32 to index
        %swap3A_34 = tpu.vector_load %arg6[%swap3A] {strides = array<i32>} : memref<15632xf32, #tpu.memory_space<vmem>>, vector<16xf32>,
        %swap3A_35 = vector.shape_cast %swap3A_34 : vector<16xf32> to vector<16xf32>
        %swap3A_36 = vector.shape_cast %broadcast_in_dim3A_31 : vector<16xf32> to vector<16xf32>
        tpu.vector_store %arg6[%swap3A], %swap3A_36 {strides = array<i32>} : memref<15632xf32, #tpu.memory_space<vmem>>, vector<16xf32>,
      }
      %scan3A_6 = arith.constant 977 : i32
      %mul3A = arith.constant 62528 : i32
      %mul3A_7 = arith.muli %arg1, %mul3A : i32
      %scan3A_8 = arith.constant 0 : i32
      %scan3A_9 = arith.constant 0 : i32
      %scan3A_10 = arith.constant 4 : i32
      %scan3A_11 = arith.addi %scan3A_9, %scan3A_10 : i32
      %scan3A_12 = arith.constant 1 : i32
      scf.for %scan3A_30 = %scan3A_9 to %scan3A_11 step %scan3A_12  : i32 {
        %mul3A_31 = arith.constant 15632 : i32
        %mul3A_32 = arith.muli %scan3A_30, %mul3A_31 : i32
        %add3A = arith.addi %mul3A_7, %mul3A_32 : i32
        "tpu.region"() ({
          %run_scoped3A = tpu.sem_alloc : memref<!tpu.dma_semaphore, #tpu.memory_space<semaphore_mem>>
          %dma_start3A_33 = tpu.memref_slice %arg4[%add3A] : memref<1000448xf32, #tpu.memory_space<hbm>> -> memref<15632xf32, #tpu.memory_space<hbm>>
          %dma_start3A_34 = tpu.memref_slice %arg4[%add3A] : memref<1000448xf32, #tpu.memory_space<hbm>> -> memref<15632xf32, #tpu.memory_space<hbm>>
          tpu.enqueue_dma source(%arg6 : memref<15632xf32, #tpu.memory_space<vmem>>) target(%dma_start3A_34 : memref<15632xf32, #tpu.memory_space<hbm>>) target_semaphore(%run_scoped3A : memref<!tpu.dma_semaphore, #tpu.memory_space<semaphore_mem>>)
          %dma_wait3A_35 = tpu.memref_slice %arg4[%add3A] : memref<1000448xf32, #tpu.memory_space<hbm>> -> memref<15632xf32, #tpu.memory_space<hbm>>
          %dma_wait3A_36 = tpu.memref_slice %arg4[%add3A] : memref<1000448xf32, #tpu.memory_space<hbm>> -> memref<15632xf32, #tpu.memory_space<hbm>>
          tpu.wait_dma2 semaphore(%run_scoped3A : memref<!tpu.dma_semaphore, #tpu.memory_space<semaphore_mem>>) src(%arg6 : memref<15632xf32, #tpu.memory_space<vmem>>) dst(%dma_wait3A_36 : memref<15632xf32, #tpu.memory_space<hbm>>)
          tpu.yield
        }) : () -> ()
      }
      %scan3A_13 = arith.constant 4 : i32
      %barrier3A = arith.constant 0 : index
      tpu.barrier barrier_id(%barrier3A)
      %eq3A_14 = arith.constant 0 : i32
      %eq3A_15 = arith.cmpi eq, %arg1, %eq3A_14 : i32
      %convert_element_type3A_16 = arith.extui %eq3A_15 : i1 to i32
      %cond3A_17 = arith.constant 0 : i32
      %cond3A_18 = arith.cmpi ne, %convert_element_type3A_16, %cond3A_17 : i32
      scf.if %cond3A_18 {
        "tpu.region"() ({
          %run_scoped3A = tpu.sem_alloc : memref<!tpu.dma_semaphore, #tpu.memory_space<semaphore_mem>>
          tpu.enqueue_dma source(%arg2 : memref<16384xi32, #tpu.memory_space<hbm>>) target(%arg7 : memref<16384xi32, #tpu.memory_space<vmem>>) target_semaphore(%run_scoped3A : memref<!tpu.dma_semaphore, #tpu.memory_space<semaphore_mem>>)
          tpu.wait_dma2 semaphore(%run_scoped3A : memref<!tpu.dma_semaphore, #tpu.memory_space<semaphore_mem>>) src(%arg2 : memref<16384xi32, #tpu.memory_space<hbm>>) dst(%arg7 : memref<16384xi32, #tpu.memory_space<vmem>>)
          tpu.yield
        }) : () -> ()
        "tpu.region"() ({
          %run_scoped3A = tpu.sem_alloc : memref<!tpu.dma_semaphore, #tpu.memory_space<semaphore_mem>>
          tpu.enqueue_dma source(%arg3 : memref<16384xf32, #tpu.memory_space<hbm>>) target(%arg8 : memref<16384xf32, #tpu.memory_space<vmem>>) target_semaphore(%run_scoped3A : memref<!tpu.dma_semaphore, #tpu.memory_space<semaphore_mem>>)
          tpu.wait_dma2 semaphore(%run_scoped3A : memref<!tpu.dma_semaphore, #tpu.memory_space<semaphore_mem>>) src(%arg3 : memref<16384xf32, #tpu.memory_space<hbm>>) dst(%arg8 : memref<16384xf32, #tpu.memory_space<vmem>>)
          tpu.yield
        }) : () -> ()
        %dma_start3A_30 = arith.constant 0 : i32
        %dma_start3A_31 = tpu.memref_slice %arg4[%dma_start3A_30] : memref<1000448xf32, #tpu.memory_space<hbm>> -> memref<1000448xf32, #tpu.memory_space<hbm>>
        tpu.enqueue_indirect_dma source(%arg8 : memref<16384xf32, #tpu.memory_space<vmem>>) target(%dma_start3A_31 : memref<1000448xf32, #tpu.memory_space<hbm>>) offsets(%arg7 : memref<16384xi32, #tpu.memory_space<vmem>>) semaphore(%arg12 : memref<!tpu.dma_semaphore, #tpu.memory_space<semaphore_mem>>)
        %dma_wait3A_32 = arith.constant 0 : i32
        %dma_wait3A_33 = tpu.memref_slice %arg4[%dma_wait3A_32] : memref<1000448xf32, #tpu.memory_space<hbm>> -> memref<1000448xf32, #tpu.memory_space<hbm>>
        tpu.wait_indirect_dma semaphore(%arg12 : memref<!tpu.dma_semaphore, #tpu.memory_space<semaphore_mem>>) src(%arg8 : memref<16384xf32, #tpu.memory_space<vmem>>) dst(%dma_wait3A_33 : memref<1000448xf32, #tpu.memory_space<hbm>>)
      } else {
      }
      %barrier3A_19 = arith.constant 0 : index
      tpu.barrier barrier_id(%barrier3A_19)
      %mul3A_20 = arith.constant 1024 : i32
      %mul3A_21 = arith.muli %arg1, %mul3A_20 : i32
      "tpu.region"() ({
        %run_scoped3A = tpu.sem_alloc : memref<!tpu.dma_semaphore, #tpu.memory_space<semaphore_mem>>
        %dma_start3A_30 = tpu.memref_slice %arg2[%mul3A_21] : memref<16384xi32, #tpu.memory_space<hbm>> -> memref<1024xi32, #tpu.memory_space<hbm>>
        %dma_start3A_31 = tpu.memref_slice %arg2[%mul3A_21] : memref<16384xi32, #tpu.memory_space<hbm>> -> memref<1024xi32, #tpu.memory_space<hbm>>
        tpu.enqueue_dma source(%dma_start3A_31 : memref<1024xi32, #tpu.memory_space<hbm>>) target(%arg9 : memref<1024xi32, #tpu.memory_space<vmem>>) target_semaphore(%run_scoped3A : memref<!tpu.dma_semaphore, #tpu.memory_space<semaphore_mem>>)
        %dma_wait3A_32 = tpu.memref_slice %arg2[%mul3A_21] : memref<16384xi32, #tpu.memory_space<hbm>> -> memref<1024xi32, #tpu.memory_space<hbm>>
        %dma_wait3A_33 = tpu.memref_slice %arg2[%mul3A_21] : memref<16384xi32, #tpu.memory_space<hbm>> -> memref<1024xi32, #tpu.memory_space<hbm>>
        tpu.wait_dma2 semaphore(%run_scoped3A : memref<!tpu.dma_semaphore, #tpu.memory_space<semaphore_mem>>) src(%dma_wait3A_33 : memref<1024xi32, #tpu.memory_space<hbm>>) dst(%arg9 : memref<1024xi32, #tpu.memory_space<vmem>>)
        tpu.yield
      }) : () -> ()
      %dma_start3A = arith.constant 0 : i32
      %dma_start3A_22 = tpu.memref_slice %arg4[%dma_start3A] : memref<1000448xf32, #tpu.memory_space<hbm>> -> memref<1000448xf32, #tpu.memory_space<hbm>>
      tpu.enqueue_indirect_dma source(%dma_start3A_22 : memref<1000448xf32, #tpu.memory_space<hbm>>) target(%arg10 : memref<1024xf32, #tpu.memory_space<vmem>>) offsets(%arg9 : memref<1024xi32, #tpu.memory_space<vmem>>) semaphore(%arg12 : memref<!tpu.dma_semaphore, #tpu.memory_space<semaphore_mem>>)
      %dma_wait3A = arith.constant 0 : i32
      %dma_wait3A_23 = tpu.memref_slice %arg4[%dma_wait3A] : memref<1000448xf32, #tpu.memory_space<hbm>> -> memref<1000448xf32, #tpu.memory_space<hbm>>
      tpu.wait_indirect_dma semaphore(%arg12 : memref<!tpu.dma_semaphore, #tpu.memory_space<semaphore_mem>>) src(%dma_wait3A_23 : memref<1000448xf32, #tpu.memory_space<hbm>>) dst(%arg10 : memref<1024xf32, #tpu.memory_space<vmem>>)
      "tpu.region"() ({
        %run_scoped3A = tpu.sem_alloc : memref<!tpu.dma_semaphore, #tpu.memory_space<semaphore_mem>>
        %dma_start3A_30 = tpu.memref_slice %arg3[%mul3A_21] : memref<16384xf32, #tpu.memory_space<hbm>> -> memref<1024xf32, #tpu.memory_space<hbm>>
        %dma_start3A_31 = tpu.memref_slice %arg3[%mul3A_21] : memref<16384xf32, #tpu.memory_space<hbm>> -> memref<1024xf32, #tpu.memory_space<hbm>>
        tpu.enqueue_dma source(%dma_start3A_31 : memref<1024xf32, #tpu.memory_space<hbm>>) target(%arg11 : memref<1024xf32, #tpu.memory_space<vmem>>) target_semaphore(%run_scoped3A : memref<!tpu.dma_semaphore, #tpu.memory_space<semaphore_mem>>)
        %dma_wait3A_32 = tpu.memref_slice %arg3[%mul3A_21] : memref<16384xf32, #tpu.memory_space<hbm>> -> memref<1024xf32, #tpu.memory_space<hbm>>
        %dma_wait3A_33 = tpu.memref_slice %arg3[%mul3A_21] : memref<16384xf32, #tpu.memory_space<hbm>> -> memref<1024xf32, #tpu.memory_space<hbm>>
        tpu.wait_dma2 semaphore(%run_scoped3A : memref<!tpu.dma_semaphore, #tpu.memory_space<semaphore_mem>>) src(%dma_wait3A_33 : memref<1024xf32, #tpu.memory_space<hbm>>) dst(%arg11 : memref<1024xf32, #tpu.memory_space<vmem>>)
        tpu.yield
      }) : () -> ()
      %scan3A_24 = arith.constant 0 : i32
      %scan3A_25 = arith.constant 0 : i32
      %scan3A_26 = arith.constant 64 : i32
      %scan3A_27 = arith.addi %scan3A_25, %scan3A_26 : i32
      %scan3A_28 = arith.constant 1 : i32
      scf.for %scan3A_30 = %scan3A_25 to %scan3A_27 step %scan3A_28  : i32 {
        %mul3A_31 = arith.constant 16 : i32
        %mul3A_32 = arith.muli %scan3A_30, %mul3A_31 : i32
        %get3A = arith.index_cast %mul3A_32 : i32 to index
        %get3A_33 = tpu.vector_load %arg10[%get3A] {strides = array<i32>} : memref<1024xf32, #tpu.memory_space<vmem>>, vector<16xf32>,
        %get3A_34 = vector.shape_cast %get3A_33 : vector<16xf32> to vector<16xf32>
        %mul3A_35 = arith.constant 16 : i32
        %mul3A_36 = arith.muli %scan3A_30, %mul3A_35 : i32
        %get3A_37 = arith.index_cast %mul3A_36 : i32 to index
        %get3A_38 = tpu.vector_load %arg11[%get3A_37] {strides = array<i32>} : memref<1024xf32, #tpu.memory_space<vmem>>, vector<16xf32>,
        %get3A_39 = vector.shape_cast %get3A_38 : vector<16xf32> to vector<16xf32>
        %eq3A_40 = arith.cmpf oeq, %get3A_34, %get3A_39 : vector<16xf32>
        %jit3A = arith.constant 1.000000e+00 : f32
        %jit3A_41 = arith.constant 0.000000e+00 : f32
        %broadcast_in_dim3A = vector.broadcast %jit3A : f32 to vector<16xf32>
        %broadcast_in_dim3A_42 = vector.broadcast %jit3A_41 : f32 to vector<16xf32>
        %select_n3A = arith.select %eq3A_40, %broadcast_in_dim3A, %broadcast_in_dim3A_42 : vector<16xi1>, vector<16xf32>
        %mul3A_43 = arith.constant 16 : i32
        %mul3A_44 = arith.muli %scan3A_30, %mul3A_43 : i32
        %swap3A = arith.index_cast %mul3A_44 : i32 to index
        %swap3A_45 = tpu.vector_load %arg11[%swap3A] {strides = array<i32>} : memref<1024xf32, #tpu.memory_space<vmem>>, vector<16xf32>,
        %swap3A_46 = vector.shape_cast %swap3A_45 : vector<16xf32> to vector<16xf32>
        %swap3A_47 = vector.shape_cast %select_n3A : vector<16xf32> to vector<16xf32>
        tpu.vector_store %arg11[%swap3A], %swap3A_47 {strides = array<i32>} : memref<1024xf32, #tpu.memory_space<vmem>>, vector<16xf32>,
      }
      %scan3A_29 = arith.constant 64 : i32
      "tpu.region"() ({
        %run_scoped3A = tpu.sem_alloc : memref<!tpu.dma_semaphore, #tpu.memory_space<semaphore_mem>>
        %dma_start3A_30 = tpu.memref_slice %arg5[%mul3A_21] : memref<16384xf32, #tpu.memory_space<hbm>> -> memref<1024xf32, #tpu.memory_space<hbm>>
        %dma_start3A_31 = tpu.memref_slice %arg5[%mul3A_21] : memref<16384xf32, #tpu.memory_space<hbm>> -> memref<1024xf32, #tpu.memory_space<hbm>>
        tpu.enqueue_dma source(%arg11 : memref<1024xf32, #tpu.memory_space<vmem>>) target(%dma_start3A_31 : memref<1024xf32, #tpu.memory_space<hbm>>) target_semaphore(%run_scoped3A : memref<!tpu.dma_semaphore, #tpu.memory_space<semaphore_mem>>)
        %dma_wait3A_32 = tpu.memref_slice %arg5[%mul3A_21] : memref<16384xf32, #tpu.memory_space<hbm>> -> memref<1024xf32, #tpu.memory_space<hbm>>
        %dma_wait3A_33 = tpu.memref_slice %arg5[%mul3A_21] : memref<16384xf32, #tpu.memory_space<hbm>> -> memref<1024xf32, #tpu.memory_space<hbm>>
        tpu.wait_dma2 semaphore(%run_scoped3A : memref<!tpu.dma_semaphore, #tpu.memory_space<semaphore_mem>>) src(%arg11 : memref<1024xf32, #tpu.memory_space<vmem>>) dst(%dma_wait3A_33 : memref<1024xf32, #tpu.memory_space<hbm>>)
        tpu.yield
      }) : () -> ()
    } else {
    }
    return
  }
}

module attributes {stable_mosaic.version = 14 : i64} {
  func.func @_tc_body(%arg0: i32, %arg1: memref<16x64xf32, #tpu.memory_space<vmem>>, %arg2: memref<16384x64xf32, #tpu.memory_space<vmem>>, %arg3: memref<1x16384xf32, #tpu.memory_space<vmem>>, %arg4: memref<8000x64xf32, #tpu.memory_space<vmem>>, %arg5: memref<1x1x8000xf32, #tpu.memory_space<vmem>>, %arg6: memref<1x1x8000xf32, #tpu.memory_space<vmem>>, %arg7: memref<16x64xf32, #tpu.memory_space<vmem>>, %arg8: memref<16x8xf32, #tpu.memory_space<vmem>>, %arg9: memref<1x1x8000xf32, #tpu.memory_space<vmem>>, %arg10: memref<16x64xf32, #tpu.memory_space<vmem>>, %arg11: memref<16x8xf32, #tpu.memory_space<vmem>>, %arg12: memref<16x8x64xf32, #tpu.memory_space<vmem>>) attributes {dimension_semantics = [#tpu.dimension_semantics<arbitrary>], iteration_bounds = array<i64: 125>, scalar_prefetch = 0 : i64, scratch_operands = 3 : i64, tpu.core_type = #tpu.core_type<tc>, window_params = [{pipeline_mode = #tpu.pipeline_mode<synchronous>, transform_indices = @transform_0, window_bounds = array<i64: 16, 64>}, {pipeline_mode = #tpu.pipeline_mode<synchronous>, transform_indices = @transform_1, window_bounds = array<i64: 16384, 64>}, {pipeline_mode = #tpu.pipeline_mode<synchronous>, transform_indices = @transform_2, window_bounds = array<i64: 1, 16384>}, {transform_indices = @transform_3, window_bounds = array<i64: 8000, 64>}, {transform_indices = @transform_4, window_bounds = array<i64: 1, 1, 8000>}, {transform_indices = @transform_5, window_bounds = array<i64: 1, 1, 8000>}, {pipeline_mode = #tpu.pipeline_mode<synchronous>, transform_indices = @transform_6, window_bounds = array<i64: 16, 64>}, {pipeline_mode = #tpu.pipeline_mode<synchronous>, transform_indices = @transform_7, window_bounds = array<i64: 16, 8>}, {transform_indices = @transform_8, window_bounds = array<i64: 1, 1, 8000>}]} {
    %get3A = arith.constant 0 : index
    %get3A_0 = arith.constant 0 : index
    %get3A_1 = arith.constant 0 : index
    %get3A_2 = vector.load %arg5[%get3A, %get3A_0, %get3A_1] : memref<1x1x8000xf32, #tpu.memory_space<vmem>>, vector<1x1x8000xf32>
    %get3A_3 = vector.shape_cast %get3A_2 : vector<1x1x8000xf32> to vector<8000xf32>
    %gt3A = arith.constant 5.000000e-01 : f32
    %gt3A_4 = vector.broadcast %gt3A : f32 to vector<8000xf32>
    %gt3A_5 = arith.cmpf ogt, %get3A_3, %gt3A_4 : vector<8000xf32>
    %get3A_6 = arith.constant 0 : index
    %get3A_7 = arith.constant 0 : index
    %get3A_8 = arith.constant 0 : index
    %get3A_9 = vector.load %arg6[%get3A_6, %get3A_7, %get3A_8] : memref<1x1x8000xf32, #tpu.memory_space<vmem>>, vector<1x1x8000xf32>
    %get3A_10 = vector.shape_cast %get3A_9 : vector<1x1x8000xf32> to vector<8000xf32>
    %mul3A = arith.constant 9.800000e-01 : f32
    %mul3A_11 = vector.broadcast %mul3A : f32 to vector<8000xf32>
    %mul3A_12 = arith.mulf %get3A_10, %mul3A_11 : vector<8000xf32>
    %jit3A = arith.constant 9.800000e-01 : f32
    %broadcast_in_dim3A = vector.broadcast %jit3A : f32 to vector<8000xf32>
    %select_n3A = arith.select %gt3A_5, %broadcast_in_dim3A, %mul3A_12 : vector<8000xi1>, vector<8000xf32>
    %swap3A = arith.constant 0 : index
    %swap3A_13 = arith.constant 0 : index
    %swap3A_14 = arith.constant 0 : index
    %swap3A_15 = vector.load %arg9[%swap3A, %swap3A_13, %swap3A_14] : memref<1x1x8000xf32, #tpu.memory_space<vmem>>, vector<1x1x8000xf32>
    %swap3A_16 = vector.shape_cast %swap3A_15 : vector<1x1x8000xf32> to vector<8000xf32>
    %swap3A_17 = vector.shape_cast %select_n3A : vector<8000xf32> to vector<1x1x8000xf32>
    tpu.vector_store %arg9[%swap3A, %swap3A_13, %swap3A_14], %swap3A_17 {strides = array<i32>} : memref<1x1x8000xf32, #tpu.memory_space<vmem>>, vector<1x1x8000xf32>,
    %eq3A = arith.constant 0 : i32
    %eq3A_18 = arith.cmpi eq, %arg0, %eq3A : i32
    %convert_element_type3A = arith.extui %eq3A_18 : i1 to i32
    %cond3A = arith.constant 0 : i32
    %cond3A_19 = arith.cmpi ne, %convert_element_type3A, %cond3A : i32
    scf.if %cond3A_19 {
      %get3A_30 = arith.constant 0 : index
      %get3A_31 = arith.constant 0 : index
      %get3A_32 = vector.load %arg1[%get3A_30, %get3A_31] : memref<16x64xf32, #tpu.memory_space<vmem>>, vector<16x64xf32>
      %mul3A_33 = arith.mulf %get3A_32, %get3A_32 : vector<16x64xf32>
      %reduce_sum3A = arith.constant dense<0.000000e+00> : vector<16xf32>
      %reduce_sum3A_34 = vector.multi_reduction <add>, %mul3A_33, %reduce_sum3A [1] : vector<16x64xf32> to vector<16xf32>
      %broadcast_in_dim3A_35 = vector.shape_cast %reduce_sum3A_34 : vector<16xf32> to vector<16x1xf32>
      %sqrt3A = math.sqrt %broadcast_in_dim3A_35 : vector<16x1xf32>
      %add3A = arith.constant 9.99999996E-13 : f32
      %add3A_36 = vector.broadcast %add3A : f32 to vector<16x1xf32>
      %add3A_37 = arith.addf %sqrt3A, %add3A_36 : vector<16x1xf32>
      %div3A = vector.broadcast %add3A_37 : vector<16x1xf32> to vector<16x64xf32>
      %div3A_38 = arith.divf %get3A_32, %div3A : vector<16x64xf32>
      %swap3A_39 = arith.constant 0 : index
      %swap3A_40 = arith.constant 0 : index
      %swap3A_41 = vector.load %arg10[%swap3A_39, %swap3A_40] : memref<16x64xf32, #tpu.memory_space<vmem>>, vector<16x64xf32>
      tpu.vector_store %arg10[%swap3A_39, %swap3A_40], %div3A_38 {strides = array<i32>} : memref<16x64xf32, #tpu.memory_space<vmem>>, vector<16x64xf32>,
      %get3A_42 = arith.constant 0 : index
      %get3A_43 = arith.constant 0 : index
      %get3A_44 = vector.load %arg2[%get3A_42, %get3A_43] : memref<16384x64xf32, #tpu.memory_space<vmem>>, vector<16384x64xf32>
      %mul3A_45 = arith.mulf %get3A_44, %get3A_44 : vector<16384x64xf32>
      %reduce_sum3A_46 = arith.constant dense<0.000000e+00> : vector<16384xf32>
      %reduce_sum3A_47 = vector.multi_reduction <add>, %mul3A_45, %reduce_sum3A_46 [1] : vector<16384x64xf32> to vector<16384xf32>
      %sqrt3A_48 = math.sqrt %reduce_sum3A_47 : vector<16384xf32>
      %add3A_49 = arith.constant 9.99999996E-13 : f32
      %add3A_50 = vector.broadcast %add3A_49 : f32 to vector<16384xf32>
      %add3A_51 = arith.addf %sqrt3A_48, %add3A_50 : vector<16384xf32>
      %div3A_52 = arith.constant 1.000000e+00 : f32
      %div3A_53 = vector.broadcast %div3A_52 : f32 to vector<16384xf32>
      %div3A_54 = arith.divf %div3A_53, %add3A_51 : vector<16384xf32>
      %transpose3A = tpu.transpose %get3A_44, [1, 0] : vector<16384x64xf32> -> vector<64x16384xf32>
      %dot_general3A = arith.constant dense<0.000000e+00> : vector<16x16384xf32>
      %dot_general3A_55 = tpu.matmul %div3A_38, %transpose3A, %dot_general3A {dimension_numbers = #tpu.dot_dimension_numbers<[1], [0], [0], [1], [0, 0, 1, 1], [], []>, transpose_lhs_hint = false} : vector<16x64xf32>, vector<64x16384xf32>, vector<16x16384xf32> -> vector<16x16384xf32>
      %broadcast_in_dim3A_56 = vector.shape_cast %div3A_54 : vector<16384xf32> to vector<1x16384xf32>
      %mul3A_57 = vector.broadcast %broadcast_in_dim3A_56 : vector<1x16384xf32> to vector<16x16384xf32>
      %mul3A_58 = arith.mulf %dot_general3A_55, %mul3A_57 : vector<16x16384xf32>
      %get3A_59 = arith.constant 0 : index
      %get3A_60 = arith.constant 0 : index
      %get3A_61 = vector.load %arg3[%get3A_59, %get3A_60] : memref<1x16384xf32, #tpu.memory_space<vmem>>, vector<1x16384xf32>
      %get3A_62 = vector.shape_cast %get3A_61 : vector<1x16384xf32> to vector<16384xf32>
      %broadcast_in_dim3A_63 = vector.shape_cast %get3A_62 : vector<16384xf32> to vector<1x16384xf32>
      %gt3A_64 = arith.constant 5.000000e-01 : f32
      %gt3A_65 = vector.broadcast %gt3A_64 : f32 to vector<1x16384xf32>
      %gt3A_66 = arith.cmpf ogt, %broadcast_in_dim3A_63, %gt3A_65 : vector<1x16384xf32>
      %jit3A_67 = arith.constant -1.000000e+30 : f32
      %broadcast_in_dim3A_68 = vector.shape_cast %gt3A_66 : vector<1x16384xi1> to vector<1x16384xi1>
      %broadcast_in_dim3A_69 = vector.broadcast %broadcast_in_dim3A_68 : vector<1x16384xi1> to vector<16x16384xi1>
      %broadcast_in_dim3A_70 = vector.broadcast %jit3A_67 : f32 to vector<16x16384xf32>
      %select_n3A_71 = arith.select %broadcast_in_dim3A_69, %mul3A_58, %broadcast_in_dim3A_70 : vector<16x16384xi1>, vector<16x16384xf32>
      %get3A_72 = arith.constant 0 : index
      %get3A_73 = arith.constant 0 : index
      %get3A_74 = vector.load %arg4[%get3A_72, %get3A_73] : memref<8000x64xf32, #tpu.memory_space<vmem>>, vector<8000x64xf32>
      %transpose3A_75 = tpu.transpose %get3A_74, [1, 0] : vector<8000x64xf32> -> vector<64x8000xf32>
      %dot_general3A_76 = arith.constant dense<0.000000e+00> : vector<16x8000xf32>
      %dot_general3A_77 = tpu.matmul %div3A_38, %transpose3A_75, %dot_general3A_76 {dimension_numbers = #tpu.dot_dimension_numbers<[1], [0], [0], [1], [0, 0, 1, 1], [], []>, transpose_lhs_hint = false} : vector<16x64xf32>, vector<64x8000xf32>, vector<16x8000xf32> -> vector<16x8000xf32>
      %broadcast_in_dim3A_78 = vector.shape_cast %get3A_3 : vector<8000xf32> to vector<1x8000xf32>
      %gt3A_79 = arith.constant 5.000000e-01 : f32
      %gt3A_80 = vector.broadcast %gt3A_79 : f32 to vector<1x8000xf32>
      %gt3A_81 = arith.cmpf ogt, %broadcast_in_dim3A_78, %gt3A_80 : vector<1x8000xf32>
      %jit3A_82 = arith.constant -1.000000e+30 : f32
      %broadcast_in_dim3A_83 = vector.shape_cast %gt3A_81 : vector<1x8000xi1> to vector<1x8000xi1>
      %broadcast_in_dim3A_84 = vector.broadcast %broadcast_in_dim3A_83 : vector<1x8000xi1> to vector<16x8000xi1>
      %broadcast_in_dim3A_85 = vector.broadcast %jit3A_82 : f32 to vector<16x8000xf32>
      %select_n3A_86 = arith.select %broadcast_in_dim3A_84, %broadcast_in_dim3A_85, %dot_general3A_77 : vector<16x8000xi1>, vector<16x8000xf32>
      %concatenate3A = tpu.concatenate %select_n3A_86, %select_n3A_71 in 1 : vector<16x8000xf32>, vector<16x16384xf32> -> vector<16x24384xf32>
      %iota3A = tpu.iota {dimensions = array<i32: 1>} : vector<16x24384xi32>
      %reduce_max3A = arith.constant dense<0xFF800000> : vector<16xf32>
      %reduce_max3A_87 = vector.multi_reduction <maximumf>, %concatenate3A, %reduce_max3A [1] : vector<16x24384xf32> to vector<16xf32>
      %broadcast_in_dim3A_88 = vector.shape_cast %reduce_max3A_87 : vector<16xf32> to vector<16x1xf32>
      %eq3A_89 = vector.broadcast %broadcast_in_dim3A_88 : vector<16x1xf32> to vector<16x24384xf32>
      %eq3A_90 = arith.cmpf oeq, %concatenate3A, %eq3A_89 : vector<16x24384xf32>
      %jit3A_91 = arith.constant 1073741824 : i32
      %broadcast_in_dim3A_92 = vector.broadcast %jit3A_91 : i32 to vector<16x24384xi32>
      %select_n3A_93 = arith.select %eq3A_90, %iota3A, %broadcast_in_dim3A_92 : vector<16x24384xi1>, vector<16x24384xi32>
      %reduce_min3A = arith.constant dense<2147483647> : vector<16xi32>
      %reduce_min3A_94 = vector.multi_reduction <minsi>, %select_n3A_93, %reduce_min3A [1] : vector<16x24384xi32> to vector<16xi32>
      %broadcast_in_dim3A_95 = vector.shape_cast %reduce_min3A_94 : vector<16xi32> to vector<16x1xi32>
      %eq3A_96 = vector.broadcast %broadcast_in_dim3A_95 : vector<16x1xi32> to vector<16x24384xi32>
      %eq3A_97 = arith.cmpi eq, %iota3A, %eq3A_96 : vector<16x24384xi32>
      %convert_element_type3A_98 = arith.extui %eq3A_97 : vector<16x24384xi1> to vector<16x24384xi32>
      %convert_element_type3A_99 = arith.sitofp %convert_element_type3A_98 : vector<16x24384xi32> to vector<16x24384xf32>
      %broadcast_in_dim3A_100 = vector.shape_cast %reduce_min3A_94 : vector<16xi32> to vector<16x1xi32>
      %eq3A_101 = vector.broadcast %broadcast_in_dim3A_100 : vector<16x1xi32> to vector<16x24384xi32>
      %eq3A_102 = arith.cmpi eq, %iota3A, %eq3A_101 : vector<16x24384xi32>
      %jit3A_103 = arith.constant -1.000000e+30 : f32
      %broadcast_in_dim3A_104 = vector.broadcast %jit3A_103 : f32 to vector<16x24384xf32>
      %select_n3A_105 = arith.select %eq3A_102, %broadcast_in_dim3A_104, %concatenate3A : vector<16x24384xi1>, vector<16x24384xf32>
      %reduce_max3A_106 = arith.constant dense<0xFF800000> : vector<16xf32>
      %reduce_max3A_107 = vector.multi_reduction <maximumf>, %select_n3A_105, %reduce_max3A_106 [1] : vector<16x24384xf32> to vector<16xf32>
      %broadcast_in_dim3A_108 = vector.shape_cast %reduce_max3A_107 : vector<16xf32> to vector<16x1xf32>
      %eq3A_109 = vector.broadcast %broadcast_in_dim3A_108 : vector<16x1xf32> to vector<16x24384xf32>
      %eq3A_110 = arith.cmpf oeq, %select_n3A_105, %eq3A_109 : vector<16x24384xf32>
      %jit3A_111 = arith.constant 1073741824 : i32
      %broadcast_in_dim3A_112 = vector.broadcast %jit3A_111 : i32 to vector<16x24384xi32>
      %select_n3A_113 = arith.select %eq3A_110, %iota3A, %broadcast_in_dim3A_112 : vector<16x24384xi1>, vector<16x24384xi32>
      %reduce_min3A_114 = arith.constant dense<2147483647> : vector<16xi32>
      %reduce_min3A_115 = vector.multi_reduction <minsi>, %select_n3A_113, %reduce_min3A_114 [1] : vector<16x24384xi32> to vector<16xi32>
      %broadcast_in_dim3A_116 = vector.shape_cast %reduce_min3A_115 : vector<16xi32> to vector<16x1xi32>
      %eq3A_117 = vector.broadcast %broadcast_in_dim3A_116 : vector<16x1xi32> to vector<16x24384xi32>
      %eq3A_118 = arith.cmpi eq, %iota3A, %eq3A_117 : vector<16x24384xi32>
      %convert_element_type3A_119 = arith.extui %eq3A_118 : vector<16x24384xi1> to vector<16x24384xi32>
      %convert_element_type3A_120 = arith.sitofp %convert_element_type3A_119 : vector<16x24384xi32> to vector<16x24384xf32>
      %broadcast_in_dim3A_121 = vector.shape_cast %reduce_min3A_115 : vector<16xi32> to vector<16x1xi32>
      %eq3A_122 = vector.broadcast %broadcast_in_dim3A_121 : vector<16x1xi32> to vector<16x24384xi32>
      %eq3A_123 = arith.cmpi eq, %iota3A, %eq3A_122 : vector<16x24384xi32>
      %jit3A_124 = arith.constant -1.000000e+30 : f32
      %broadcast_in_dim3A_125 = vector.broadcast %jit3A_124 : f32 to vector<16x24384xf32>
      %select_n3A_126 = arith.select %eq3A_123, %broadcast_in_dim3A_125, %select_n3A_105 : vector<16x24384xi1>, vector<16x24384xf32>
      %reduce_max3A_127 = arith.constant dense<0xFF800000> : vector<16xf32>
      %reduce_max3A_128 = vector.multi_reduction <maximumf>, %select_n3A_126, %reduce_max3A_127 [1] : vector<16x24384xf32> to vector<16xf32>
      %broadcast_in_dim3A_129 = vector.shape_cast %reduce_max3A_128 : vector<16xf32> to vector<16x1xf32>
      %eq3A_130 = vector.broadcast %broadcast_in_dim3A_129 : vector<16x1xf32> to vector<16x24384xf32>
      %eq3A_131 = arith.cmpf oeq, %select_n3A_126, %eq3A_130 : vector<16x24384xf32>
      %jit3A_132 = arith.constant 1073741824 : i32
      %broadcast_in_dim3A_133 = vector.broadcast %jit3A_132 : i32 to vector<16x24384xi32>
      %select_n3A_134 = arith.select %eq3A_131, %iota3A, %broadcast_in_dim3A_133 : vector<16x24384xi1>, vector<16x24384xi32>
      %reduce_min3A_135 = arith.constant dense<2147483647> : vector<16xi32>
      %reduce_min3A_136 = vector.multi_reduction <minsi>, %select_n3A_134, %reduce_min3A_135 [1] : vector<16x24384xi32> to vector<16xi32>
      %broadcast_in_dim3A_137 = vector.shape_cast %reduce_min3A_136 : vector<16xi32> to vector<16x1xi32>
      %eq3A_138 = vector.broadcast %broadcast_in_dim3A_137 : vector<16x1xi32> to vector<16x24384xi32>
      %eq3A_139 = arith.cmpi eq, %iota3A, %eq3A_138 : vector<16x24384xi32>
      %convert_element_type3A_140 = arith.extui %eq3A_139 : vector<16x24384xi1> to vector<16x24384xi32>
      %convert_element_type3A_141 = arith.sitofp %convert_element_type3A_140 : vector<16x24384xi32> to vector<16x24384xf32>
      %broadcast_in_dim3A_142 = vector.shape_cast %reduce_min3A_136 : vector<16xi32> to vector<16x1xi32>
      %eq3A_143 = vector.broadcast %broadcast_in_dim3A_142 : vector<16x1xi32> to vector<16x24384xi32>
      %eq3A_144 = arith.cmpi eq, %iota3A, %eq3A_143 : vector<16x24384xi32>
      %jit3A_145 = arith.constant -1.000000e+30 : f32
      %broadcast_in_dim3A_146 = vector.broadcast %jit3A_145 : f32 to vector<16x24384xf32>
      %select_n3A_147 = arith.select %eq3A_144, %broadcast_in_dim3A_146, %select_n3A_126 : vector<16x24384xi1>, vector<16x24384xf32>
      %reduce_max3A_148 = arith.constant dense<0xFF800000> : vector<16xf32>
      %reduce_max3A_149 = vector.multi_reduction <maximumf>, %select_n3A_147, %reduce_max3A_148 [1] : vector<16x24384xf32> to vector<16xf32>
      %broadcast_in_dim3A_150 = vector.shape_cast %reduce_max3A_149 : vector<16xf32> to vector<16x1xf32>
      %eq3A_151 = vector.broadcast %broadcast_in_dim3A_150 : vector<16x1xf32> to vector<16x24384xf32>
      %eq3A_152 = arith.cmpf oeq, %select_n3A_147, %eq3A_151 : vector<16x24384xf32>
      %jit3A_153 = arith.constant 1073741824 : i32
      %broadcast_in_dim3A_154 = vector.broadcast %jit3A_153 : i32 to vector<16x24384xi32>
      %select_n3A_155 = arith.select %eq3A_152, %iota3A, %broadcast_in_dim3A_154 : vector<16x24384xi1>, vector<16x24384xi32>
      %reduce_min3A_156 = arith.constant dense<2147483647> : vector<16xi32>
      %reduce_min3A_157 = vector.multi_reduction <minsi>, %select_n3A_155, %reduce_min3A_156 [1] : vector<16x24384xi32> to vector<16xi32>
      %broadcast_in_dim3A_158 = vector.shape_cast %reduce_min3A_157 : vector<16xi32> to vector<16x1xi32>
      %eq3A_159 = vector.broadcast %broadcast_in_dim3A_158 : vector<16x1xi32> to vector<16x24384xi32>
      %eq3A_160 = arith.cmpi eq, %iota3A, %eq3A_159 : vector<16x24384xi32>
      %convert_element_type3A_161 = arith.extui %eq3A_160 : vector<16x24384xi1> to vector<16x24384xi32>
      %convert_element_type3A_162 = arith.sitofp %convert_element_type3A_161 : vector<16x24384xi32> to vector<16x24384xf32>
      %broadcast_in_dim3A_163 = vector.shape_cast %reduce_min3A_157 : vector<16xi32> to vector<16x1xi32>
      %eq3A_164 = vector.broadcast %broadcast_in_dim3A_163 : vector<16x1xi32> to vector<16x24384xi32>
      %eq3A_165 = arith.cmpi eq, %iota3A, %eq3A_164 : vector<16x24384xi32>
      %jit3A_166 = arith.constant -1.000000e+30 : f32
      %broadcast_in_dim3A_167 = vector.broadcast %jit3A_166 : f32 to vector<16x24384xf32>
      %select_n3A_168 = arith.select %eq3A_165, %broadcast_in_dim3A_167, %select_n3A_147 : vector<16x24384xi1>, vector<16x24384xf32>
      %reduce_max3A_169 = arith.constant dense<0xFF800000> : vector<16xf32>
      %reduce_max3A_170 = vector.multi_reduction <maximumf>, %select_n3A_168, %reduce_max3A_169 [1] : vector<16x24384xf32> to vector<16xf32>
      %broadcast_in_dim3A_171 = vector.shape_cast %reduce_max3A_170 : vector<16xf32> to vector<16x1xf32>
      %eq3A_172 = vector.broadcast %broadcast_in_dim3A_171 : vector<16x1xf32> to vector<16x24384xf32>
      %eq3A_173 = arith.cmpf oeq, %select_n3A_168, %eq3A_172 : vector<16x24384xf32>
      %jit3A_174 = arith.constant 1073741824 : i32
      %broadcast_in_dim3A_175 = vector.broadcast %jit3A_174 : i32 to vector<16x24384xi32>
      %select_n3A_176 = arith.select %eq3A_173, %iota3A, %broadcast_in_dim3A_175 : vector<16x24384xi1>, vector<16x24384xi32>
      %reduce_min3A_177 = arith.constant dense<2147483647> : vector<16xi32>
      %reduce_min3A_178 = vector.multi_reduction <minsi>, %select_n3A_176, %reduce_min3A_177 [1] : vector<16x24384xi32> to vector<16xi32>
      %broadcast_in_dim3A_179 = vector.shape_cast %reduce_min3A_178 : vector<16xi32> to vector<16x1xi32>
      %eq3A_180 = vector.broadcast %broadcast_in_dim3A_179 : vector<16x1xi32> to vector<16x24384xi32>
      %eq3A_181 = arith.cmpi eq, %iota3A, %eq3A_180 : vector<16x24384xi32>
      %convert_element_type3A_182 = arith.extui %eq3A_181 : vector<16x24384xi1> to vector<16x24384xi32>
      %convert_element_type3A_183 = arith.sitofp %convert_element_type3A_182 : vector<16x24384xi32> to vector<16x24384xf32>
      %broadcast_in_dim3A_184 = vector.shape_cast %reduce_min3A_178 : vector<16xi32> to vector<16x1xi32>
      %eq3A_185 = vector.broadcast %broadcast_in_dim3A_184 : vector<16x1xi32> to vector<16x24384xi32>
      %eq3A_186 = arith.cmpi eq, %iota3A, %eq3A_185 : vector<16x24384xi32>
      %jit3A_187 = arith.constant -1.000000e+30 : f32
      %broadcast_in_dim3A_188 = vector.broadcast %jit3A_187 : f32 to vector<16x24384xf32>
      %select_n3A_189 = arith.select %eq3A_186, %broadcast_in_dim3A_188, %select_n3A_168 : vector<16x24384xi1>, vector<16x24384xf32>
      %reduce_max3A_190 = arith.constant dense<0xFF800000> : vector<16xf32>
      %reduce_max3A_191 = vector.multi_reduction <maximumf>, %select_n3A_189, %reduce_max3A_190 [1] : vector<16x24384xf32> to vector<16xf32>
      %broadcast_in_dim3A_192 = vector.shape_cast %reduce_max3A_191 : vector<16xf32> to vector<16x1xf32>
      %eq3A_193 = vector.broadcast %broadcast_in_dim3A_192 : vector<16x1xf32> to vector<16x24384xf32>
      %eq3A_194 = arith.cmpf oeq, %select_n3A_189, %eq3A_193 : vector<16x24384xf32>
      %jit3A_195 = arith.constant 1073741824 : i32
      %broadcast_in_dim3A_196 = vector.broadcast %jit3A_195 : i32 to vector<16x24384xi32>
      %select_n3A_197 = arith.select %eq3A_194, %iota3A, %broadcast_in_dim3A_196 : vector<16x24384xi1>, vector<16x24384xi32>
      %reduce_min3A_198 = arith.constant dense<2147483647> : vector<16xi32>
      %reduce_min3A_199 = vector.multi_reduction <minsi>, %select_n3A_197, %reduce_min3A_198 [1] : vector<16x24384xi32> to vector<16xi32>
      %broadcast_in_dim3A_200 = vector.shape_cast %reduce_min3A_199 : vector<16xi32> to vector<16x1xi32>
      %eq3A_201 = vector.broadcast %broadcast_in_dim3A_200 : vector<16x1xi32> to vector<16x24384xi32>
      %eq3A_202 = arith.cmpi eq, %iota3A, %eq3A_201 : vector<16x24384xi32>
      %convert_element_type3A_203 = arith.extui %eq3A_202 : vector<16x24384xi1> to vector<16x24384xi32>
      %convert_element_type3A_204 = arith.sitofp %convert_element_type3A_203 : vector<16x24384xi32> to vector<16x24384xf32>
      %broadcast_in_dim3A_205 = vector.shape_cast %reduce_min3A_199 : vector<16xi32> to vector<16x1xi32>
      %eq3A_206 = vector.broadcast %broadcast_in_dim3A_205 : vector<16x1xi32> to vector<16x24384xi32>
      %eq3A_207 = arith.cmpi eq, %iota3A, %eq3A_206 : vector<16x24384xi32>
      %jit3A_208 = arith.constant -1.000000e+30 : f32
      %broadcast_in_dim3A_209 = vector.broadcast %jit3A_208 : f32 to vector<16x24384xf32>
      %select_n3A_210 = arith.select %eq3A_207, %broadcast_in_dim3A_209, %select_n3A_189 : vector<16x24384xi1>, vector<16x24384xf32>
      %reduce_max3A_211 = arith.constant dense<0xFF800000> : vector<16xf32>
      %reduce_max3A_212 = vector.multi_reduction <maximumf>, %select_n3A_210, %reduce_max3A_211 [1] : vector<16x24384xf32> to vector<16xf32>
      %broadcast_in_dim3A_213 = vector.shape_cast %reduce_max3A_212 : vector<16xf32> to vector<16x1xf32>
      %eq3A_214 = vector.broadcast %broadcast_in_dim3A_213 : vector<16x1xf32> to vector<16x24384xf32>
      %eq3A_215 = arith.cmpf oeq, %select_n3A_210, %eq3A_214 : vector<16x24384xf32>
      %jit3A_216 = arith.constant 1073741824 : i32
      %broadcast_in_dim3A_217 = vector.broadcast %jit3A_216 : i32 to vector<16x24384xi32>
      %select_n3A_218 = arith.select %eq3A_215, %iota3A, %broadcast_in_dim3A_217 : vector<16x24384xi1>, vector<16x24384xi32>
      %reduce_min3A_219 = arith.constant dense<2147483647> : vector<16xi32>
      %reduce_min3A_220 = vector.multi_reduction <minsi>, %select_n3A_218, %reduce_min3A_219 [1] : vector<16x24384xi32> to vector<16xi32>
      %broadcast_in_dim3A_221 = vector.shape_cast %reduce_min3A_220 : vector<16xi32> to vector<16x1xi32>
      %eq3A_222 = vector.broadcast %broadcast_in_dim3A_221 : vector<16x1xi32> to vector<16x24384xi32>
      %eq3A_223 = arith.cmpi eq, %iota3A, %eq3A_222 : vector<16x24384xi32>
      %convert_element_type3A_224 = arith.extui %eq3A_223 : vector<16x24384xi1> to vector<16x24384xi32>
      %convert_element_type3A_225 = arith.sitofp %convert_element_type3A_224 : vector<16x24384xi32> to vector<16x24384xf32>
      %broadcast_in_dim3A_226 = vector.shape_cast %reduce_min3A_220 : vector<16xi32> to vector<16x1xi32>
      %eq3A_227 = vector.broadcast %broadcast_in_dim3A_226 : vector<16x1xi32> to vector<16x24384xi32>
      %eq3A_228 = arith.cmpi eq, %iota3A, %eq3A_227 : vector<16x24384xi32>
      %jit3A_229 = arith.constant -1.000000e+30 : f32
      %broadcast_in_dim3A_230 = vector.broadcast %jit3A_229 : f32 to vector<16x24384xf32>
      %select_n3A_231 = arith.select %eq3A_228, %broadcast_in_dim3A_230, %select_n3A_210 : vector<16x24384xi1>, vector<16x24384xf32>
      %reduce_max3A_232 = arith.constant dense<0xFF800000> : vector<16xf32>
      %reduce_max3A_233 = vector.multi_reduction <maximumf>, %select_n3A_231, %reduce_max3A_232 [1] : vector<16x24384xf32> to vector<16xf32>
      %broadcast_in_dim3A_234 = vector.shape_cast %reduce_max3A_233 : vector<16xf32> to vector<16x1xf32>
      %eq3A_235 = vector.broadcast %broadcast_in_dim3A_234 : vector<16x1xf32> to vector<16x24384xf32>
      %eq3A_236 = arith.cmpf oeq, %select_n3A_231, %eq3A_235 : vector<16x24384xf32>
      %jit3A_237 = arith.constant 1073741824 : i32
      %broadcast_in_dim3A_238 = vector.broadcast %jit3A_237 : i32 to vector<16x24384xi32>
      %select_n3A_239 = arith.select %eq3A_236, %iota3A, %broadcast_in_dim3A_238 : vector<16x24384xi1>, vector<16x24384xi32>
      %reduce_min3A_240 = arith.constant dense<2147483647> : vector<16xi32>
      %reduce_min3A_241 = vector.multi_reduction <minsi>, %select_n3A_239, %reduce_min3A_240 [1] : vector<16x24384xi32> to vector<16xi32>
      %broadcast_in_dim3A_242 = vector.shape_cast %reduce_min3A_241 : vector<16xi32> to vector<16x1xi32>
      %eq3A_243 = vector.broadcast %broadcast_in_dim3A_242 : vector<16x1xi32> to vector<16x24384xi32>
      %eq3A_244 = arith.cmpi eq, %iota3A, %eq3A_243 : vector<16x24384xi32>
      %convert_element_type3A_245 = arith.extui %eq3A_244 : vector<16x24384xi1> to vector<16x24384xi32>
      %convert_element_type3A_246 = arith.sitofp %convert_element_type3A_245 : vector<16x24384xi32> to vector<16x24384xf32>
      %concatenate3A_247 = tpu.concatenate %convert_element_type3A_99, %convert_element_type3A_120, %convert_element_type3A_141, %convert_element_type3A_162, %convert_element_type3A_183, %convert_element_type3A_204, %convert_element_type3A_225, %convert_element_type3A_246 in 0 : vector<16x24384xf32>, vector<16x24384xf32>, vector<16x24384xf32>, vector<16x24384xf32>, vector<16x24384xf32>, vector<16x24384xf32>, vector<16x24384xf32>, vector<16x24384xf32> -> vector<128x24384xf32>
      %slice3A = vector.extract_strided_slice %concatenate3A_247 {offsets = [0, 0], sizes = [128, 8000], strides = [1, 1]} : vector<128x24384xf32> to vector<128x8000xf32>
      %dot_general3A_248 = arith.constant dense<0.000000e+00> : vector<128x64xf32>
      %dot_general3A_249 = tpu.matmul %slice3A, %get3A_74, %dot_general3A_248 {dimension_numbers = #tpu.dot_dimension_numbers<[1], [0], [0], [1], [0, 0, 1, 1], [], []>, transpose_lhs_hint = false} : vector<128x8000xf32>, vector<8000x64xf32>, vector<128x64xf32> -> vector<128x64xf32>
      %slice3A_250 = vector.extract_strided_slice %concatenate3A_247 {offsets = [0, 8000], sizes = [128, 16384], strides = [1, 1]} : vector<128x24384xf32> to vector<128x16384xf32>
      %broadcast_in_dim3A_251 = vector.shape_cast %div3A_54 : vector<16384xf32> to vector<1x16384xf32>
      %mul3A_252 = vector.broadcast %broadcast_in_dim3A_251 : vector<1x16384xf32> to vector<128x16384xf32>
      %mul3A_253 = arith.mulf %slice3A_250, %mul3A_252 : vector<128x16384xf32>
      %dot_general3A_254 = arith.constant dense<0.000000e+00> : vector<128x64xf32>
      %dot_general3A_255 = tpu.matmul %mul3A_253, %get3A_44, %dot_general3A_254 {dimension_numbers = #tpu.dot_dimension_numbers<[1], [0], [0], [1], [0, 0, 1, 1], [], []>, transpose_lhs_hint = false} : vector<128x16384xf32>, vector<16384x64xf32>, vector<128x64xf32> -> vector<128x64xf32>
      %add3A_256 = arith.addf %dot_general3A_249, %dot_general3A_255 : vector<128x64xf32>
      %reshape3A = vector.shape_cast %add3A_256 : vector<128x64xf32> to vector<8x16x64xf32>
      %stack3A = vector.shape_cast %reduce_max3A_87 : vector<16xf32> to vector<16x1xf32>
      %stack3A_257 = vector.shape_cast %reduce_max3A_107 : vector<16xf32> to vector<16x1xf32>
      %stack3A_258 = vector.shape_cast %reduce_max3A_128 : vector<16xf32> to vector<16x1xf32>
      %stack3A_259 = vector.shape_cast %reduce_max3A_149 : vector<16xf32> to vector<16x1xf32>
      %stack3A_260 = vector.shape_cast %reduce_max3A_170 : vector<16xf32> to vector<16x1xf32>
      %stack3A_261 = vector.shape_cast %reduce_max3A_191 : vector<16xf32> to vector<16x1xf32>
      %stack3A_262 = vector.shape_cast %reduce_max3A_212 : vector<16xf32> to vector<16x1xf32>
      %stack3A_263 = vector.shape_cast %reduce_max3A_233 : vector<16xf32> to vector<16x1xf32>
      %stack3A_264 = tpu.concatenate %stack3A, %stack3A_257, %stack3A_258, %stack3A_259, %stack3A_260, %stack3A_261, %stack3A_262, %stack3A_263 in 1 : vector<16x1xf32>, vector<16x1xf32>, vector<16x1xf32>, vector<16x1xf32>, vector<16x1xf32>, vector<16x1xf32>, vector<16x1xf32>, vector<16x1xf32> -> vector<16x8xf32>
      %swap3A_265 = arith.constant 0 : index
      %swap3A_266 = arith.constant 0 : index
      %swap3A_267 = vector.load %arg11[%swap3A_265, %swap3A_266] : memref<16x8xf32, #tpu.memory_space<vmem>>, vector<16x8xf32>
      tpu.vector_store %arg11[%swap3A_265, %swap3A_266], %stack3A_264 {strides = array<i32>} : memref<16x8xf32, #tpu.memory_space<vmem>>, vector<16x8xf32>,
      %transpose3A_268 = tpu.transpose %reshape3A, [1, 0, 2] : vector<8x16x64xf32> -> vector<16x8x64xf32>
      %swap3A_269 = arith.constant 0 : index
      %swap3A_270 = arith.constant 0 : index
      %swap3A_271 = arith.constant 0 : index
      %swap3A_272 = vector.load %arg12[%swap3A_269, %swap3A_270, %swap3A_271] : memref<16x8x64xf32, #tpu.memory_space<vmem>>, vector<16x8x64xf32>
      tpu.vector_store %arg12[%swap3A_269, %swap3A_270, %swap3A_271], %transpose3A_268 {strides = array<i32>} : memref<16x8x64xf32, #tpu.memory_space<vmem>>, vector<16x8x64xf32>,
    } else {
    }
    %gt3A_20 = arith.constant 0 : i32
    %gt3A_21 = arith.cmpi sgt, %arg0, %gt3A_20 : i32
    %convert_element_type3A_22 = arith.extui %gt3A_21 : i1 to i32
    %cond3A_23 = arith.constant 0 : i32
    %cond3A_24 = arith.cmpi ne, %convert_element_type3A_22, %cond3A_23 : i32
    scf.if %cond3A_24 {
      %get3A_30 = arith.constant 0 : index
      %get3A_31 = arith.constant 0 : index
      %get3A_32 = vector.load %arg10[%get3A_30, %get3A_31] : memref<16x64xf32, #tpu.memory_space<vmem>>, vector<16x64xf32>
      %get3A_33 = arith.constant 0 : index
      %get3A_34 = arith.constant 0 : index
      %get3A_35 = vector.load %arg4[%get3A_33, %get3A_34] : memref<8000x64xf32, #tpu.memory_space<vmem>>, vector<8000x64xf32>
      %transpose3A = tpu.transpose %get3A_35, [1, 0] : vector<8000x64xf32> -> vector<64x8000xf32>
      %dot_general3A = arith.constant dense<0.000000e+00> : vector<16x8000xf32>
      %dot_general3A_36 = tpu.matmul %get3A_32, %transpose3A, %dot_general3A {dimension_numbers = #tpu.dot_dimension_numbers<[1], [0], [0], [1], [0, 0, 1, 1], [], []>, transpose_lhs_hint = false} : vector<16x64xf32>, vector<64x8000xf32>, vector<16x8000xf32> -> vector<16x8000xf32>
      %broadcast_in_dim3A_37 = vector.shape_cast %get3A_3 : vector<8000xf32> to vector<1x8000xf32>
      %gt3A_38 = arith.constant 5.000000e-01 : f32
      %gt3A_39 = vector.broadcast %gt3A_38 : f32 to vector<1x8000xf32>
      %gt3A_40 = arith.cmpf ogt, %broadcast_in_dim3A_37, %gt3A_39 : vector<1x8000xf32>
      %jit3A_41 = arith.constant -1.000000e+30 : f32
      %broadcast_in_dim3A_42 = vector.shape_cast %gt3A_40 : vector<1x8000xi1> to vector<1x8000xi1>
      %broadcast_in_dim3A_43 = vector.broadcast %broadcast_in_dim3A_42 : vector<1x8000xi1> to vector<16x8000xi1>
      %broadcast_in_dim3A_44 = vector.broadcast %jit3A_41 : f32 to vector<16x8000xf32>
      %select_n3A_45 = arith.select %broadcast_in_dim3A_43, %broadcast_in_dim3A_44, %dot_general3A_36 : vector<16x8000xi1>, vector<16x8000xf32>
      %get3A_46 = arith.constant 0 : index
      %get3A_47 = arith.constant 0 : index
      %get3A_48 = vector.load %arg11[%get3A_46, %get3A_47] : memref<16x8xf32, #tpu.memory_space<vmem>>, vector<16x8xf32>
      %get3A_49 = arith.constant 0 : index
      %get3A_50 = arith.constant 0 : index
      %get3A_51 = arith.constant 0 : index
      %get3A_52 = vector.load %arg12[%get3A_49, %get3A_50, %get3A_51] : memref<16x8x64xf32, #tpu.memory_space<vmem>>, vector<16x8x64xf32>
      %concatenate3A = tpu.concatenate %get3A_48, %select_n3A_45 in 1 : vector<16x8xf32>, vector<16x8000xf32> -> vector<16x8008xf32>
      %iota3A = tpu.iota {dimensions = array<i32: 1>} : vector<16x8008xi32>
      %reduce_max3A = arith.constant dense<0xFF800000> : vector<16xf32>
      %reduce_max3A_53 = vector.multi_reduction <maximumf>, %concatenate3A, %reduce_max3A [1] : vector<16x8008xf32> to vector<16xf32>
      %broadcast_in_dim3A_54 = vector.shape_cast %reduce_max3A_53 : vector<16xf32> to vector<16x1xf32>
      %eq3A_55 = vector.broadcast %broadcast_in_dim3A_54 : vector<16x1xf32> to vector<16x8008xf32>
      %eq3A_56 = arith.cmpf oeq, %concatenate3A, %eq3A_55 : vector<16x8008xf32>
      %jit3A_57 = arith.constant 1073741824 : i32
      %broadcast_in_dim3A_58 = vector.broadcast %jit3A_57 : i32 to vector<16x8008xi32>
      %select_n3A_59 = arith.select %eq3A_56, %iota3A, %broadcast_in_dim3A_58 : vector<16x8008xi1>, vector<16x8008xi32>
      %reduce_min3A = arith.constant dense<2147483647> : vector<16xi32>
      %reduce_min3A_60 = vector.multi_reduction <minsi>, %select_n3A_59, %reduce_min3A [1] : vector<16x8008xi32> to vector<16xi32>
      %broadcast_in_dim3A_61 = vector.shape_cast %reduce_min3A_60 : vector<16xi32> to vector<16x1xi32>
      %eq3A_62 = vector.broadcast %broadcast_in_dim3A_61 : vector<16x1xi32> to vector<16x8008xi32>
      %eq3A_63 = arith.cmpi eq, %iota3A, %eq3A_62 : vector<16x8008xi32>
      %convert_element_type3A_64 = arith.extui %eq3A_63 : vector<16x8008xi1> to vector<16x8008xi32>
      %convert_element_type3A_65 = arith.sitofp %convert_element_type3A_64 : vector<16x8008xi32> to vector<16x8008xf32>
      %broadcast_in_dim3A_66 = vector.shape_cast %reduce_min3A_60 : vector<16xi32> to vector<16x1xi32>
      %eq3A_67 = vector.broadcast %broadcast_in_dim3A_66 : vector<16x1xi32> to vector<16x8008xi32>
      %eq3A_68 = arith.cmpi eq, %iota3A, %eq3A_67 : vector<16x8008xi32>
      %jit3A_69 = arith.constant -1.000000e+30 : f32
      %broadcast_in_dim3A_70 = vector.broadcast %jit3A_69 : f32 to vector<16x8008xf32>
      %select_n3A_71 = arith.select %eq3A_68, %broadcast_in_dim3A_70, %concatenate3A : vector<16x8008xi1>, vector<16x8008xf32>
      %reduce_max3A_72 = arith.constant dense<0xFF800000> : vector<16xf32>
      %reduce_max3A_73 = vector.multi_reduction <maximumf>, %select_n3A_71, %reduce_max3A_72 [1] : vector<16x8008xf32> to vector<16xf32>
      %broadcast_in_dim3A_74 = vector.shape_cast %reduce_max3A_73 : vector<16xf32> to vector<16x1xf32>
      %eq3A_75 = vector.broadcast %broadcast_in_dim3A_74 : vector<16x1xf32> to vector<16x8008xf32>
      %eq3A_76 = arith.cmpf oeq, %select_n3A_71, %eq3A_75 : vector<16x8008xf32>
      %jit3A_77 = arith.constant 1073741824 : i32
      %broadcast_in_dim3A_78 = vector.broadcast %jit3A_77 : i32 to vector<16x8008xi32>
      %select_n3A_79 = arith.select %eq3A_76, %iota3A, %broadcast_in_dim3A_78 : vector<16x8008xi1>, vector<16x8008xi32>
      %reduce_min3A_80 = arith.constant dense<2147483647> : vector<16xi32>
      %reduce_min3A_81 = vector.multi_reduction <minsi>, %select_n3A_79, %reduce_min3A_80 [1] : vector<16x8008xi32> to vector<16xi32>
      %broadcast_in_dim3A_82 = vector.shape_cast %reduce_min3A_81 : vector<16xi32> to vector<16x1xi32>
      %eq3A_83 = vector.broadcast %broadcast_in_dim3A_82 : vector<16x1xi32> to vector<16x8008xi32>
      %eq3A_84 = arith.cmpi eq, %iota3A, %eq3A_83 : vector<16x8008xi32>
      %convert_element_type3A_85 = arith.extui %eq3A_84 : vector<16x8008xi1> to vector<16x8008xi32>
      %convert_element_type3A_86 = arith.sitofp %convert_element_type3A_85 : vector<16x8008xi32> to vector<16x8008xf32>
      %broadcast_in_dim3A_87 = vector.shape_cast %reduce_min3A_81 : vector<16xi32> to vector<16x1xi32>
      %eq3A_88 = vector.broadcast %broadcast_in_dim3A_87 : vector<16x1xi32> to vector<16x8008xi32>
      %eq3A_89 = arith.cmpi eq, %iota3A, %eq3A_88 : vector<16x8008xi32>
      %jit3A_90 = arith.constant -1.000000e+30 : f32
      %broadcast_in_dim3A_91 = vector.broadcast %jit3A_90 : f32 to vector<16x8008xf32>
      %select_n3A_92 = arith.select %eq3A_89, %broadcast_in_dim3A_91, %select_n3A_71 : vector<16x8008xi1>, vector<16x8008xf32>
      %reduce_max3A_93 = arith.constant dense<0xFF800000> : vector<16xf32>
      %reduce_max3A_94 = vector.multi_reduction <maximumf>, %select_n3A_92, %reduce_max3A_93 [1] : vector<16x8008xf32> to vector<16xf32>
      %broadcast_in_dim3A_95 = vector.shape_cast %reduce_max3A_94 : vector<16xf32> to vector<16x1xf32>
      %eq3A_96 = vector.broadcast %broadcast_in_dim3A_95 : vector<16x1xf32> to vector<16x8008xf32>
      %eq3A_97 = arith.cmpf oeq, %select_n3A_92, %eq3A_96 : vector<16x8008xf32>
      %jit3A_98 = arith.constant 1073741824 : i32
      %broadcast_in_dim3A_99 = vector.broadcast %jit3A_98 : i32 to vector<16x8008xi32>
      %select_n3A_100 = arith.select %eq3A_97, %iota3A, %broadcast_in_dim3A_99 : vector<16x8008xi1>, vector<16x8008xi32>
      %reduce_min3A_101 = arith.constant dense<2147483647> : vector<16xi32>
      %reduce_min3A_102 = vector.multi_reduction <minsi>, %select_n3A_100, %reduce_min3A_101 [1] : vector<16x8008xi32> to vector<16xi32>
      %broadcast_in_dim3A_103 = vector.shape_cast %reduce_min3A_102 : vector<16xi32> to vector<16x1xi32>
      %eq3A_104 = vector.broadcast %broadcast_in_dim3A_103 : vector<16x1xi32> to vector<16x8008xi32>
      %eq3A_105 = arith.cmpi eq, %iota3A, %eq3A_104 : vector<16x8008xi32>
      %convert_element_type3A_106 = arith.extui %eq3A_105 : vector<16x8008xi1> to vector<16x8008xi32>
      %convert_element_type3A_107 = arith.sitofp %convert_element_type3A_106 : vector<16x8008xi32> to vector<16x8008xf32>
      %broadcast_in_dim3A_108 = vector.shape_cast %reduce_min3A_102 : vector<16xi32> to vector<16x1xi32>
      %eq3A_109 = vector.broadcast %broadcast_in_dim3A_108 : vector<16x1xi32> to vector<16x8008xi32>
      %eq3A_110 = arith.cmpi eq, %iota3A, %eq3A_109 : vector<16x8008xi32>
      %jit3A_111 = arith.constant -1.000000e+30 : f32
      %broadcast_in_dim3A_112 = vector.broadcast %jit3A_111 : f32 to vector<16x8008xf32>
      %select_n3A_113 = arith.select %eq3A_110, %broadcast_in_dim3A_112, %select_n3A_92 : vector<16x8008xi1>, vector<16x8008xf32>
      %reduce_max3A_114 = arith.constant dense<0xFF800000> : vector<16xf32>
      %reduce_max3A_115 = vector.multi_reduction <maximumf>, %select_n3A_113, %reduce_max3A_114 [1] : vector<16x8008xf32> to vector<16xf32>
      %broadcast_in_dim3A_116 = vector.shape_cast %reduce_max3A_115 : vector<16xf32> to vector<16x1xf32>
      %eq3A_117 = vector.broadcast %broadcast_in_dim3A_116 : vector<16x1xf32> to vector<16x8008xf32>
      %eq3A_118 = arith.cmpf oeq, %select_n3A_113, %eq3A_117 : vector<16x8008xf32>
      %jit3A_119 = arith.constant 1073741824 : i32
      %broadcast_in_dim3A_120 = vector.broadcast %jit3A_119 : i32 to vector<16x8008xi32>
      %select_n3A_121 = arith.select %eq3A_118, %iota3A, %broadcast_in_dim3A_120 : vector<16x8008xi1>, vector<16x8008xi32>
      %reduce_min3A_122 = arith.constant dense<2147483647> : vector<16xi32>
      %reduce_min3A_123 = vector.multi_reduction <minsi>, %select_n3A_121, %reduce_min3A_122 [1] : vector<16x8008xi32> to vector<16xi32>
      %broadcast_in_dim3A_124 = vector.shape_cast %reduce_min3A_123 : vector<16xi32> to vector<16x1xi32>
      %eq3A_125 = vector.broadcast %broadcast_in_dim3A_124 : vector<16x1xi32> to vector<16x8008xi32>
      %eq3A_126 = arith.cmpi eq, %iota3A, %eq3A_125 : vector<16x8008xi32>
      %convert_element_type3A_127 = arith.extui %eq3A_126 : vector<16x8008xi1> to vector<16x8008xi32>
      %convert_element_type3A_128 = arith.sitofp %convert_element_type3A_127 : vector<16x8008xi32> to vector<16x8008xf32>
      %broadcast_in_dim3A_129 = vector.shape_cast %reduce_min3A_123 : vector<16xi32> to vector<16x1xi32>
      %eq3A_130 = vector.broadcast %broadcast_in_dim3A_129 : vector<16x1xi32> to vector<16x8008xi32>
      %eq3A_131 = arith.cmpi eq, %iota3A, %eq3A_130 : vector<16x8008xi32>
      %jit3A_132 = arith.constant -1.000000e+30 : f32
      %broadcast_in_dim3A_133 = vector.broadcast %jit3A_132 : f32 to vector<16x8008xf32>
      %select_n3A_134 = arith.select %eq3A_131, %broadcast_in_dim3A_133, %select_n3A_113 : vector<16x8008xi1>, vector<16x8008xf32>
      %reduce_max3A_135 = arith.constant dense<0xFF800000> : vector<16xf32>
      %reduce_max3A_136 = vector.multi_reduction <maximumf>, %select_n3A_134, %reduce_max3A_135 [1] : vector<16x8008xf32> to vector<16xf32>
      %broadcast_in_dim3A_137 = vector.shape_cast %reduce_max3A_136 : vector<16xf32> to vector<16x1xf32>
      %eq3A_138 = vector.broadcast %broadcast_in_dim3A_137 : vector<16x1xf32> to vector<16x8008xf32>
      %eq3A_139 = arith.cmpf oeq, %select_n3A_134, %eq3A_138 : vector<16x8008xf32>
      %jit3A_140 = arith.constant 1073741824 : i32
      %broadcast_in_dim3A_141 = vector.broadcast %jit3A_140 : i32 to vector<16x8008xi32>
      %select_n3A_142 = arith.select %eq3A_139, %iota3A, %broadcast_in_dim3A_141 : vector<16x8008xi1>, vector<16x8008xi32>
      %reduce_min3A_143 = arith.constant dense<2147483647> : vector<16xi32>
      %reduce_min3A_144 = vector.multi_reduction <minsi>, %select_n3A_142, %reduce_min3A_143 [1] : vector<16x8008xi32> to vector<16xi32>
      %broadcast_in_dim3A_145 = vector.shape_cast %reduce_min3A_144 : vector<16xi32> to vector<16x1xi32>
      %eq3A_146 = vector.broadcast %broadcast_in_dim3A_145 : vector<16x1xi32> to vector<16x8008xi32>
      %eq3A_147 = arith.cmpi eq, %iota3A, %eq3A_146 : vector<16x8008xi32>
      %convert_element_type3A_148 = arith.extui %eq3A_147 : vector<16x8008xi1> to vector<16x8008xi32>
      %convert_element_type3A_149 = arith.sitofp %convert_element_type3A_148 : vector<16x8008xi32> to vector<16x8008xf32>
      %broadcast_in_dim3A_150 = vector.shape_cast %reduce_min3A_144 : vector<16xi32> to vector<16x1xi32>
      %eq3A_151 = vector.broadcast %broadcast_in_dim3A_150 : vector<16x1xi32> to vector<16x8008xi32>
      %eq3A_152 = arith.cmpi eq, %iota3A, %eq3A_151 : vector<16x8008xi32>
      %jit3A_153 = arith.constant -1.000000e+30 : f32
      %broadcast_in_dim3A_154 = vector.broadcast %jit3A_153 : f32 to vector<16x8008xf32>
      %select_n3A_155 = arith.select %eq3A_152, %broadcast_in_dim3A_154, %select_n3A_134 : vector<16x8008xi1>, vector<16x8008xf32>
      %reduce_max3A_156 = arith.constant dense<0xFF800000> : vector<16xf32>
      %reduce_max3A_157 = vector.multi_reduction <maximumf>, %select_n3A_155, %reduce_max3A_156 [1] : vector<16x8008xf32> to vector<16xf32>
      %broadcast_in_dim3A_158 = vector.shape_cast %reduce_max3A_157 : vector<16xf32> to vector<16x1xf32>
      %eq3A_159 = vector.broadcast %broadcast_in_dim3A_158 : vector<16x1xf32> to vector<16x8008xf32>
      %eq3A_160 = arith.cmpf oeq, %select_n3A_155, %eq3A_159 : vector<16x8008xf32>
      %jit3A_161 = arith.constant 1073741824 : i32
      %broadcast_in_dim3A_162 = vector.broadcast %jit3A_161 : i32 to vector<16x8008xi32>
      %select_n3A_163 = arith.select %eq3A_160, %iota3A, %broadcast_in_dim3A_162 : vector<16x8008xi1>, vector<16x8008xi32>
      %reduce_min3A_164 = arith.constant dense<2147483647> : vector<16xi32>
      %reduce_min3A_165 = vector.multi_reduction <minsi>, %select_n3A_163, %reduce_min3A_164 [1] : vector<16x8008xi32> to vector<16xi32>
      %broadcast_in_dim3A_166 = vector.shape_cast %reduce_min3A_165 : vector<16xi32> to vector<16x1xi32>
      %eq3A_167 = vector.broadcast %broadcast_in_dim3A_166 : vector<16x1xi32> to vector<16x8008xi32>
      %eq3A_168 = arith.cmpi eq, %iota3A, %eq3A_167 : vector<16x8008xi32>
      %convert_element_type3A_169 = arith.extui %eq3A_168 : vector<16x8008xi1> to vector<16x8008xi32>
      %convert_element_type3A_170 = arith.sitofp %convert_element_type3A_169 : vector<16x8008xi32> to vector<16x8008xf32>
      %broadcast_in_dim3A_171 = vector.shape_cast %reduce_min3A_165 : vector<16xi32> to vector<16x1xi32>
      %eq3A_172 = vector.broadcast %broadcast_in_dim3A_171 : vector<16x1xi32> to vector<16x8008xi32>
      %eq3A_173 = arith.cmpi eq, %iota3A, %eq3A_172 : vector<16x8008xi32>
      %jit3A_174 = arith.constant -1.000000e+30 : f32
      %broadcast_in_dim3A_175 = vector.broadcast %jit3A_174 : f32 to vector<16x8008xf32>
      %select_n3A_176 = arith.select %eq3A_173, %broadcast_in_dim3A_175, %select_n3A_155 : vector<16x8008xi1>, vector<16x8008xf32>
      %reduce_max3A_177 = arith.constant dense<0xFF800000> : vector<16xf32>
      %reduce_max3A_178 = vector.multi_reduction <maximumf>, %select_n3A_176, %reduce_max3A_177 [1] : vector<16x8008xf32> to vector<16xf32>
      %broadcast_in_dim3A_179 = vector.shape_cast %reduce_max3A_178 : vector<16xf32> to vector<16x1xf32>
      %eq3A_180 = vector.broadcast %broadcast_in_dim3A_179 : vector<16x1xf32> to vector<16x8008xf32>
      %eq3A_181 = arith.cmpf oeq, %select_n3A_176, %eq3A_180 : vector<16x8008xf32>
      %jit3A_182 = arith.constant 1073741824 : i32
      %broadcast_in_dim3A_183 = vector.broadcast %jit3A_182 : i32 to vector<16x8008xi32>
      %select_n3A_184 = arith.select %eq3A_181, %iota3A, %broadcast_in_dim3A_183 : vector<16x8008xi1>, vector<16x8008xi32>
      %reduce_min3A_185 = arith.constant dense<2147483647> : vector<16xi32>
      %reduce_min3A_186 = vector.multi_reduction <minsi>, %select_n3A_184, %reduce_min3A_185 [1] : vector<16x8008xi32> to vector<16xi32>
      %broadcast_in_dim3A_187 = vector.shape_cast %reduce_min3A_186 : vector<16xi32> to vector<16x1xi32>
      %eq3A_188 = vector.broadcast %broadcast_in_dim3A_187 : vector<16x1xi32> to vector<16x8008xi32>
      %eq3A_189 = arith.cmpi eq, %iota3A, %eq3A_188 : vector<16x8008xi32>
      %convert_element_type3A_190 = arith.extui %eq3A_189 : vector<16x8008xi1> to vector<16x8008xi32>
      %convert_element_type3A_191 = arith.sitofp %convert_element_type3A_190 : vector<16x8008xi32> to vector<16x8008xf32>
      %broadcast_in_dim3A_192 = vector.shape_cast %reduce_min3A_186 : vector<16xi32> to vector<16x1xi32>
      %eq3A_193 = vector.broadcast %broadcast_in_dim3A_192 : vector<16x1xi32> to vector<16x8008xi32>
      %eq3A_194 = arith.cmpi eq, %iota3A, %eq3A_193 : vector<16x8008xi32>
      %jit3A_195 = arith.constant -1.000000e+30 : f32
      %broadcast_in_dim3A_196 = vector.broadcast %jit3A_195 : f32 to vector<16x8008xf32>
      %select_n3A_197 = arith.select %eq3A_194, %broadcast_in_dim3A_196, %select_n3A_176 : vector<16x8008xi1>, vector<16x8008xf32>
      %reduce_max3A_198 = arith.constant dense<0xFF800000> : vector<16xf32>
      %reduce_max3A_199 = vector.multi_reduction <maximumf>, %select_n3A_197, %reduce_max3A_198 [1] : vector<16x8008xf32> to vector<16xf32>
      %broadcast_in_dim3A_200 = vector.shape_cast %reduce_max3A_199 : vector<16xf32> to vector<16x1xf32>
      %eq3A_201 = vector.broadcast %broadcast_in_dim3A_200 : vector<16x1xf32> to vector<16x8008xf32>
      %eq3A_202 = arith.cmpf oeq, %select_n3A_197, %eq3A_201 : vector<16x8008xf32>
      %jit3A_203 = arith.constant 1073741824 : i32
      %broadcast_in_dim3A_204 = vector.broadcast %jit3A_203 : i32 to vector<16x8008xi32>
      %select_n3A_205 = arith.select %eq3A_202, %iota3A, %broadcast_in_dim3A_204 : vector<16x8008xi1>, vector<16x8008xi32>
      %reduce_min3A_206 = arith.constant dense<2147483647> : vector<16xi32>
      %reduce_min3A_207 = vector.multi_reduction <minsi>, %select_n3A_205, %reduce_min3A_206 [1] : vector<16x8008xi32> to vector<16xi32>
      %broadcast_in_dim3A_208 = vector.shape_cast %reduce_min3A_207 : vector<16xi32> to vector<16x1xi32>
      %eq3A_209 = vector.broadcast %broadcast_in_dim3A_208 : vector<16x1xi32> to vector<16x8008xi32>
      %eq3A_210 = arith.cmpi eq, %iota3A, %eq3A_209 : vector<16x8008xi32>
      %convert_element_type3A_211 = arith.extui %eq3A_210 : vector<16x8008xi1> to vector<16x8008xi32>
      %convert_element_type3A_212 = arith.sitofp %convert_element_type3A_211 : vector<16x8008xi32> to vector<16x8008xf32>
      %concatenate3A_213 = tpu.concatenate %convert_element_type3A_65, %convert_element_type3A_86, %convert_element_type3A_107, %convert_element_type3A_128, %convert_element_type3A_149, %convert_element_type3A_170, %convert_element_type3A_191, %convert_element_type3A_212 in 0 : vector<16x8008xf32>, vector<16x8008xf32>, vector<16x8008xf32>, vector<16x8008xf32>, vector<16x8008xf32>, vector<16x8008xf32>, vector<16x8008xf32>, vector<16x8008xf32> -> vector<128x8008xf32>
      %slice3A = vector.extract_strided_slice %concatenate3A_213 {offsets = [0, 8], sizes = [128, 8000], strides = [1, 1]} : vector<128x8008xf32> to vector<128x8000xf32>
      %dot_general3A_214 = arith.constant dense<0.000000e+00> : vector<128x64xf32>
      %dot_general3A_215 = tpu.matmul %slice3A, %get3A_35, %dot_general3A_214 {dimension_numbers = #tpu.dot_dimension_numbers<[1], [0], [0], [1], [0, 0, 1, 1], [], []>, transpose_lhs_hint = false} : vector<128x8000xf32>, vector<8000x64xf32>, vector<128x64xf32> -> vector<128x64xf32>
      %reshape3A = vector.shape_cast %dot_general3A_215 : vector<128x64xf32> to vector<8x16x64xf32>
      %slice3A_216 = vector.extract_strided_slice %concatenate3A_213 {offsets = [0, 0], sizes = [128, 8], strides = [1, 1]} : vector<128x8008xf32> to vector<128x8xf32>
      %reshape3A_217 = vector.shape_cast %slice3A_216 : vector<128x8xf32> to vector<8x16x8xf32>
      %slice3A_218 = vector.extract_strided_slice %reshape3A_217 {offsets = [0, 0, 0], sizes = [8, 16, 1], strides = [1, 1, 1]} : vector<8x16x8xf32> to vector<8x16x1xf32>
      %squeeze3A = vector.shape_cast %slice3A_218 : vector<8x16x1xf32> to vector<8x16xf32>
      %broadcast_in_dim3A_219 = vector.shape_cast %squeeze3A : vector<8x16xf32> to vector<8x16x1xf32>
      %slice3A_220 = vector.extract_strided_slice %get3A_52 {offsets = [0, 0, 0], sizes = [16, 1, 64], strides = [1, 1, 1]} : vector<16x8x64xf32> to vector<16x1x64xf32>
      %squeeze3A_221 = vector.shape_cast %slice3A_220 : vector<16x1x64xf32> to vector<16x64xf32>
      %broadcast_in_dim3A_222 = vector.shape_cast %squeeze3A_221 : vector<16x64xf32> to vector<1x16x64xf32>
      %mul3A_223 = vector.broadcast %broadcast_in_dim3A_219 : vector<8x16x1xf32> to vector<8x16x64xf32>
      %mul3A_224 = vector.broadcast %broadcast_in_dim3A_222 : vector<1x16x64xf32> to vector<8x16x64xf32>
      %mul3A_225 = arith.mulf %mul3A_223, %mul3A_224 : vector<8x16x64xf32>
      %add3A = arith.addf %reshape3A, %mul3A_225 : vector<8x16x64xf32>
      %slice3A_226 = vector.extract_strided_slice %reshape3A_217 {offsets = [0, 0, 1], sizes = [8, 16, 1], strides = [1, 1, 1]} : vector<8x16x8xf32> to vector<8x16x1xf32>
      %squeeze3A_227 = vector.shape_cast %slice3A_226 : vector<8x16x1xf32> to vector<8x16xf32>
      %broadcast_in_dim3A_228 = vector.shape_cast %squeeze3A_227 : vector<8x16xf32> to vector<8x16x1xf32>
      %slice3A_229 = vector.extract_strided_slice %get3A_52 {offsets = [0, 1, 0], sizes = [16, 1, 64], strides = [1, 1, 1]} : vector<16x8x64xf32> to vector<16x1x64xf32>
      %squeeze3A_230 = vector.shape_cast %slice3A_229 : vector<16x1x64xf32> to vector<16x64xf32>
      %broadcast_in_dim3A_231 = vector.shape_cast %squeeze3A_230 : vector<16x64xf32> to vector<1x16x64xf32>
      %mul3A_232 = vector.broadcast %broadcast_in_dim3A_228 : vector<8x16x1xf32> to vector<8x16x64xf32>
      %mul3A_233 = vector.broadcast %broadcast_in_dim3A_231 : vector<1x16x64xf32> to vector<8x16x64xf32>
      %mul3A_234 = arith.mulf %mul3A_232, %mul3A_233 : vector<8x16x64xf32>
      %add3A_235 = arith.addf %add3A, %mul3A_234 : vector<8x16x64xf32>
      %slice3A_236 = vector.extract_strided_slice %reshape3A_217 {offsets = [0, 0, 2], sizes = [8, 16, 1], strides = [1, 1, 1]} : vector<8x16x8xf32> to vector<8x16x1xf32>
      %squeeze3A_237 = vector.shape_cast %slice3A_236 : vector<8x16x1xf32> to vector<8x16xf32>
      %broadcast_in_dim3A_238 = vector.shape_cast %squeeze3A_237 : vector<8x16xf32> to vector<8x16x1xf32>
      %slice3A_239 = vector.extract_strided_slice %get3A_52 {offsets = [0, 2, 0], sizes = [16, 1, 64], strides = [1, 1, 1]} : vector<16x8x64xf32> to vector<16x1x64xf32>
      %squeeze3A_240 = vector.shape_cast %slice3A_239 : vector<16x1x64xf32> to vector<16x64xf32>
      %broadcast_in_dim3A_241 = vector.shape_cast %squeeze3A_240 : vector<16x64xf32> to vector<1x16x64xf32>
      %mul3A_242 = vector.broadcast %broadcast_in_dim3A_238 : vector<8x16x1xf32> to vector<8x16x64xf32>
      %mul3A_243 = vector.broadcast %broadcast_in_dim3A_241 : vector<1x16x64xf32> to vector<8x16x64xf32>
      %mul3A_244 = arith.mulf %mul3A_242, %mul3A_243 : vector<8x16x64xf32>
      %add3A_245 = arith.addf %add3A_235, %mul3A_244 : vector<8x16x64xf32>
      %slice3A_246 = vector.extract_strided_slice %reshape3A_217 {offsets = [0, 0, 3], sizes = [8, 16, 1], strides = [1, 1, 1]} : vector<8x16x8xf32> to vector<8x16x1xf32>
      %squeeze3A_247 = vector.shape_cast %slice3A_246 : vector<8x16x1xf32> to vector<8x16xf32>
      %broadcast_in_dim3A_248 = vector.shape_cast %squeeze3A_247 : vector<8x16xf32> to vector<8x16x1xf32>
      %slice3A_249 = vector.extract_strided_slice %get3A_52 {offsets = [0, 3, 0], sizes = [16, 1, 64], strides = [1, 1, 1]} : vector<16x8x64xf32> to vector<16x1x64xf32>
      %squeeze3A_250 = vector.shape_cast %slice3A_249 : vector<16x1x64xf32> to vector<16x64xf32>
      %broadcast_in_dim3A_251 = vector.shape_cast %squeeze3A_250 : vector<16x64xf32> to vector<1x16x64xf32>
      %mul3A_252 = vector.broadcast %broadcast_in_dim3A_248 : vector<8x16x1xf32> to vector<8x16x64xf32>
      %mul3A_253 = vector.broadcast %broadcast_in_dim3A_251 : vector<1x16x64xf32> to vector<8x16x64xf32>
      %mul3A_254 = arith.mulf %mul3A_252, %mul3A_253 : vector<8x16x64xf32>
      %add3A_255 = arith.addf %add3A_245, %mul3A_254 : vector<8x16x64xf32>
      %slice3A_256 = vector.extract_strided_slice %reshape3A_217 {offsets = [0, 0, 4], sizes = [8, 16, 1], strides = [1, 1, 1]} : vector<8x16x8xf32> to vector<8x16x1xf32>
      %squeeze3A_257 = vector.shape_cast %slice3A_256 : vector<8x16x1xf32> to vector<8x16xf32>
      %broadcast_in_dim3A_258 = vector.shape_cast %squeeze3A_257 : vector<8x16xf32> to vector<8x16x1xf32>
      %slice3A_259 = vector.extract_strided_slice %get3A_52 {offsets = [0, 4, 0], sizes = [16, 1, 64], strides = [1, 1, 1]} : vector<16x8x64xf32> to vector<16x1x64xf32>
      %squeeze3A_260 = vector.shape_cast %slice3A_259 : vector<16x1x64xf32> to vector<16x64xf32>
      %broadcast_in_dim3A_261 = vector.shape_cast %squeeze3A_260 : vector<16x64xf32> to vector<1x16x64xf32>
      %mul3A_262 = vector.broadcast %broadcast_in_dim3A_258 : vector<8x16x1xf32> to vector<8x16x64xf32>
      %mul3A_263 = vector.broadcast %broadcast_in_dim3A_261 : vector<1x16x64xf32> to vector<8x16x64xf32>
      %mul3A_264 = arith.mulf %mul3A_262, %mul3A_263 : vector<8x16x64xf32>
      %add3A_265 = arith.addf %add3A_255, %mul3A_264 : vector<8x16x64xf32>
      %slice3A_266 = vector.extract_strided_slice %reshape3A_217 {offsets = [0, 0, 5], sizes = [8, 16, 1], strides = [1, 1, 1]} : vector<8x16x8xf32> to vector<8x16x1xf32>
      %squeeze3A_267 = vector.shape_cast %slice3A_266 : vector<8x16x1xf32> to vector<8x16xf32>
      %broadcast_in_dim3A_268 = vector.shape_cast %squeeze3A_267 : vector<8x16xf32> to vector<8x16x1xf32>
      %slice3A_269 = vector.extract_strided_slice %get3A_52 {offsets = [0, 5, 0], sizes = [16, 1, 64], strides = [1, 1, 1]} : vector<16x8x64xf32> to vector<16x1x64xf32>
      %squeeze3A_270 = vector.shape_cast %slice3A_269 : vector<16x1x64xf32> to vector<16x64xf32>
      %broadcast_in_dim3A_271 = vector.shape_cast %squeeze3A_270 : vector<16x64xf32> to vector<1x16x64xf32>
      %mul3A_272 = vector.broadcast %broadcast_in_dim3A_268 : vector<8x16x1xf32> to vector<8x16x64xf32>
      %mul3A_273 = vector.broadcast %broadcast_in_dim3A_271 : vector<1x16x64xf32> to vector<8x16x64xf32>
      %mul3A_274 = arith.mulf %mul3A_272, %mul3A_273 : vector<8x16x64xf32>
      %add3A_275 = arith.addf %add3A_265, %mul3A_274 : vector<8x16x64xf32>
      %slice3A_276 = vector.extract_strided_slice %reshape3A_217 {offsets = [0, 0, 6], sizes = [8, 16, 1], strides = [1, 1, 1]} : vector<8x16x8xf32> to vector<8x16x1xf32>
      %squeeze3A_277 = vector.shape_cast %slice3A_276 : vector<8x16x1xf32> to vector<8x16xf32>
      %broadcast_in_dim3A_278 = vector.shape_cast %squeeze3A_277 : vector<8x16xf32> to vector<8x16x1xf32>
      %slice3A_279 = vector.extract_strided_slice %get3A_52 {offsets = [0, 6, 0], sizes = [16, 1, 64], strides = [1, 1, 1]} : vector<16x8x64xf32> to vector<16x1x64xf32>
      %squeeze3A_280 = vector.shape_cast %slice3A_279 : vector<16x1x64xf32> to vector<16x64xf32>
      %broadcast_in_dim3A_281 = vector.shape_cast %squeeze3A_280 : vector<16x64xf32> to vector<1x16x64xf32>
      %mul3A_282 = vector.broadcast %broadcast_in_dim3A_278 : vector<8x16x1xf32> to vector<8x16x64xf32>
      %mul3A_283 = vector.broadcast %broadcast_in_dim3A_281 : vector<1x16x64xf32> to vector<8x16x64xf32>
      %mul3A_284 = arith.mulf %mul3A_282, %mul3A_283 : vector<8x16x64xf32>
      %add3A_285 = arith.addf %add3A_275, %mul3A_284 : vector<8x16x64xf32>
      %slice3A_286 = vector.extract_strided_slice %reshape3A_217 {offsets = [0, 0, 7], sizes = [8, 16, 1], strides = [1, 1, 1]} : vector<8x16x8xf32> to vector<8x16x1xf32>
      %squeeze3A_287 = vector.shape_cast %slice3A_286 : vector<8x16x1xf32> to vector<8x16xf32>
      %broadcast_in_dim3A_288 = vector.shape_cast %squeeze3A_287 : vector<8x16xf32> to vector<8x16x1xf32>
      %slice3A_289 = vector.extract_strided_slice %get3A_52 {offsets = [0, 7, 0], sizes = [16, 1, 64], strides = [1, 1, 1]} : vector<16x8x64xf32> to vector<16x1x64xf32>
      %squeeze3A_290 = vector.shape_cast %slice3A_289 : vector<16x1x64xf32> to vector<16x64xf32>
      %broadcast_in_dim3A_291 = vector.shape_cast %squeeze3A_290 : vector<16x64xf32> to vector<1x16x64xf32>
      %mul3A_292 = vector.broadcast %broadcast_in_dim3A_288 : vector<8x16x1xf32> to vector<8x16x64xf32>
      %mul3A_293 = vector.broadcast %broadcast_in_dim3A_291 : vector<1x16x64xf32> to vector<8x16x64xf32>
      %mul3A_294 = arith.mulf %mul3A_292, %mul3A_293 : vector<8x16x64xf32>
      %add3A_295 = arith.addf %add3A_285, %mul3A_294 : vector<8x16x64xf32>
      %stack3A = vector.shape_cast %reduce_max3A_53 : vector<16xf32> to vector<16x1xf32>
      %stack3A_296 = vector.shape_cast %reduce_max3A_73 : vector<16xf32> to vector<16x1xf32>
      %stack3A_297 = vector.shape_cast %reduce_max3A_94 : vector<16xf32> to vector<16x1xf32>
      %stack3A_298 = vector.shape_cast %reduce_max3A_115 : vector<16xf32> to vector<16x1xf32>
      %stack3A_299 = vector.shape_cast %reduce_max3A_136 : vector<16xf32> to vector<16x1xf32>
      %stack3A_300 = vector.shape_cast %reduce_max3A_157 : vector<16xf32> to vector<16x1xf32>
      %stack3A_301 = vector.shape_cast %reduce_max3A_178 : vector<16xf32> to vector<16x1xf32>
      %stack3A_302 = vector.shape_cast %reduce_max3A_199 : vector<16xf32> to vector<16x1xf32>
      %stack3A_303 = tpu.concatenate %stack3A, %stack3A_296, %stack3A_297, %stack3A_298, %stack3A_299, %stack3A_300, %stack3A_301, %stack3A_302 in 1 : vector<16x1xf32>, vector<16x1xf32>, vector<16x1xf32>, vector<16x1xf32>, vector<16x1xf32>, vector<16x1xf32>, vector<16x1xf32>, vector<16x1xf32> -> vector<16x8xf32>
      %swap3A_304 = arith.constant 0 : index
      %swap3A_305 = arith.constant 0 : index
      %swap3A_306 = vector.load %arg11[%swap3A_304, %swap3A_305] : memref<16x8xf32, #tpu.memory_space<vmem>>, vector<16x8xf32>
      tpu.vector_store %arg11[%swap3A_304, %swap3A_305], %stack3A_303 {strides = array<i32>} : memref<16x8xf32, #tpu.memory_space<vmem>>, vector<16x8xf32>,
      %transpose3A_307 = tpu.transpose %add3A_295, [1, 0, 2] : vector<8x16x64xf32> -> vector<16x8x64xf32>
      %swap3A_308 = arith.constant 0 : index
      %swap3A_309 = arith.constant 0 : index
      %swap3A_310 = arith.constant 0 : index
      %swap3A_311 = vector.load %arg12[%swap3A_308, %swap3A_309, %swap3A_310] : memref<16x8x64xf32, #tpu.memory_space<vmem>>, vector<16x8x64xf32>
      tpu.vector_store %arg12[%swap3A_308, %swap3A_309, %swap3A_310], %transpose3A_307 {strides = array<i32>} : memref<16x8x64xf32, #tpu.memory_space<vmem>>, vector<16x8x64xf32>,
    } else {
    }
    %eq3A_25 = arith.constant 124 : i32
    %eq3A_26 = arith.cmpi eq, %arg0, %eq3A_25 : i32
    %convert_element_type3A_27 = arith.extui %eq3A_26 : i1 to i32
    %cond3A_28 = arith.constant 0 : i32
    %cond3A_29 = arith.cmpi ne, %convert_element_type3A_27, %cond3A_28 : i32
    scf.if %cond3A_29 {
      %get3A_30 = arith.constant 0 : index
      %get3A_31 = arith.constant 0 : index
      %get3A_32 = vector.load %arg11[%get3A_30, %get3A_31] : memref<16x8xf32, #tpu.memory_space<vmem>>, vector<16x8xf32>
      %reduce_max3A = arith.constant dense<0xFF800000> : vector<16xf32>
      %reduce_max3A_33 = vector.multi_reduction <maximumf>, %get3A_32, %reduce_max3A [1] : vector<16x8xf32> to vector<16xf32>
      %broadcast_in_dim3A_34 = vector.shape_cast %reduce_max3A_33 : vector<16xf32> to vector<16x1xf32>
      %sub3A = vector.broadcast %broadcast_in_dim3A_34 : vector<16x1xf32> to vector<16x8xf32>
      %sub3A_35 = arith.subf %get3A_32, %sub3A : vector<16x8xf32>
      %exp3A = math.exp %sub3A_35 : vector<16x8xf32>
      %reduce_sum3A = arith.constant dense<0.000000e+00> : vector<16xf32>
      %reduce_sum3A_36 = vector.multi_reduction <add>, %exp3A, %reduce_sum3A [1] : vector<16x8xf32> to vector<16xf32>
      %broadcast_in_dim3A_37 = vector.shape_cast %reduce_sum3A_36 : vector<16xf32> to vector<16x1xf32>
      %div3A = vector.broadcast %broadcast_in_dim3A_37 : vector<16x1xf32> to vector<16x8xf32>
      %div3A_38 = arith.divf %exp3A, %div3A : vector<16x8xf32>
      %swap3A_39 = arith.constant 0 : index
      %swap3A_40 = arith.constant 0 : index
      %swap3A_41 = vector.load %arg8[%swap3A_39, %swap3A_40] : memref<16x8xf32, #tpu.memory_space<vmem>>, vector<16x8xf32>
      tpu.vector_store %arg8[%swap3A_39, %swap3A_40], %get3A_32 {strides = array<i32>} : memref<16x8xf32, #tpu.memory_space<vmem>>, vector<16x8xf32>,
      %broadcast_in_dim3A_42 = vector.shape_cast %div3A_38 : vector<16x8xf32> to vector<16x8x1xf32>
      %get3A_43 = arith.constant 0 : index
      %get3A_44 = arith.constant 0 : index
      %get3A_45 = arith.constant 0 : index
      %get3A_46 = vector.load %arg12[%get3A_43, %get3A_44, %get3A_45] : memref<16x8x64xf32, #tpu.memory_space<vmem>>, vector<16x8x64xf32>
      %mul3A_47 = vector.broadcast %broadcast_in_dim3A_42 : vector<16x8x1xf32> to vector<16x8x64xf32>
      %mul3A_48 = arith.mulf %mul3A_47, %get3A_46 : vector<16x8x64xf32>
      %reduce_sum3A_49 = arith.constant dense<0.000000e+00> : vector<16x64xf32>
      %reduce_sum3A_50 = vector.multi_reduction <add>, %mul3A_48, %reduce_sum3A_49 [1] : vector<16x8x64xf32> to vector<16x64xf32>
      %swap3A_51 = arith.constant 0 : index
      %swap3A_52 = arith.constant 0 : index
      %swap3A_53 = vector.load %arg7[%swap3A_51, %swap3A_52] : memref<16x64xf32, #tpu.memory_space<vmem>>, vector<16x64xf32>
      tpu.vector_store %arg7[%swap3A_51, %swap3A_52], %reduce_sum3A_50 {strides = array<i32>} : memref<16x64xf32, #tpu.memory_space<vmem>>, vector<16x64xf32>,
    } else {
    }
    return
  }
  func.func @transform_0(%arg0: i32) -> (i32, i32) {
    %c0_i32 = arith.constant 0 : i32
    %c0_i32_0 = arith.constant 0 : i32
    %c0_i32_1 = arith.constant 0 : i32
    return %c0_i32, %c0_i32_0 : i32, i32
  }
  func.func @transform_1(%arg0: i32) -> (i32, i32) {
    %c0_i32 = arith.constant 0 : i32
    %c0_i32_0 = arith.constant 0 : i32
    %c0_i32_1 = arith.constant 0 : i32
    return %c0_i32, %c0_i32_0 : i32, i32
  }
  func.func @transform_2(%arg0: i32) -> (i32, i32) {
    %c0_i32 = arith.constant 0 : i32
    %c0_i32_0 = arith.constant 0 : i32
    %c0_i32_1 = arith.constant 0 : i32
    return %c0_i32, %c0_i32_0 : i32, i32
  }
  func.func @transform_3(%arg0: i32) -> (i32, i32) {
    %c0_i32 = arith.constant 0 : i32
    %c0_i32_0 = arith.constant 0 : i32
    return %arg0, %c0_i32 : i32, i32
  }
  func.func @transform_4(%arg0: i32) -> (i32, i32, i32) {
    %c0_i32 = arith.constant 0 : i32
    %c0_i32_0 = arith.constant 0 : i32
    %c0_i32_1 = arith.constant 0 : i32
    return %arg0, %c0_i32, %c0_i32_0 : i32, i32, i32
  }
  func.func @transform_5(%arg0: i32) -> (i32, i32, i32) {
    %c0_i32 = arith.constant 0 : i32
    %c0_i32_0 = arith.constant 0 : i32
    %c0_i32_1 = arith.constant 0 : i32
    return %arg0, %c0_i32, %c0_i32_0 : i32, i32, i32
  }
  func.func @transform_6(%arg0: i32) -> (i32, i32) {
    %c0_i32 = arith.constant 0 : i32
    %c0_i32_0 = arith.constant 0 : i32
    %c0_i32_1 = arith.constant 0 : i32
    return %c0_i32, %c0_i32_0 : i32, i32
  }
  func.func @transform_7(%arg0: i32) -> (i32, i32) {
    %c0_i32 = arith.constant 0 : i32
    %c0_i32_0 = arith.constant 0 : i32
    %c0_i32_1 = arith.constant 0 : i32
    return %c0_i32, %c0_i32_0 : i32, i32
  }
  func.func @transform_8(%arg0: i32) -> (i32, i32, i32) {
    %c0_i32 = arith.constant 0 : i32
    %c0_i32_0 = arith.constant 0 : i32
    %c0_i32_1 = arith.constant 0 : i32
    return %arg0, %c0_i32, %c0_i32_0 : i32, i32, i32
  }
}

</mosaic_0001>

<sc_bundles>
// kernel: kernel.4.cloned.1.call-start
scs
__scs_entry_jumppad:
0x0: {  	(pc) =	sbr.rel $0x88, $3  }
0x1: {  	(tag) =	ssettag $0x0;
	lr =	simm.s32 $0x1  }
0x2: {  	[smem:$0x3F9C] =	sst lr;
	_ =	strace $0xD0000000  }
0x3: {  	_ = 	snop  }
0x4: {  	_ = 	snop  }
0x5: {  	_ = 	snop  }
0x6: {  	_ = 	snop  }
0x7: {  	_ = 	snop  }
__scs_overlays_trampoline_lowered:
0x8: {  	[smem:$0x3FAB] =	sst s0  }
0x9: {  	[smem:$0x3FAC] =	sst s1  }
0xa: {  	[smem:$0x3FAD] =	sst s2  }
0xb: {  	[smem:$0x3FAE] =	sst s3  }
0xc: {  	[smem:$0x3FAF] =	sst s4  }
0xd: {  	[smem:$0x3FB0] =	sst s5  }
0xe: {  	[smem:$0x3FB1] =	sst s6  }
0xf: {  	[smem:$0x3FB2] =	sst s7  }
0x10: {  	[smem:$0x3FB3] =	sst s8  }
0x11: {  	[smem:$0x3FB4] =	sst s9;
	s0 =	simm.s32 @!p0 $0x0  }
0x12: {  	s1 =	sld [smem:$0x3F9A];
	s0 =	simm.s32 @p0 $0x1  }
0x13: {  	[smem:$0x3FB5] =	sst s0;
	s0 =	simm.s32 @!p1 $0x0  }
0x14: {  	s2 =	sld [smem:$0x3F99];
	s0 =	simm.s32 @p1 $0x1  }
0x15: {  	[smem:$0x3FB6] =	sst s0;
	s0 =	simm.s32 @!p2 $0x0  }
0x16: {  	s3 =	sld [smem:$0x3FDB];
	s0 =	simm.s32 @p2 $0x1  }
0x17: {  	s4 =	simm.s32 $0x1BF5;
	[smem:$0x3FB8] =	sst s0  }
0x18: {  	s0 =	sld [smem:$0x3F9B];
	_ =	swait.ge [sflag:s4], $0x0  }
0x19: {  	s7 =	sld [smem:$0x3F9C]  }
0x1a: {  	s8 =	sadd.s32 $0xFFFFE003, lr  }
0x1b: {  	s9 =	sadd.s32 $0xFFFFFEF7, lr;
	s5 =	simm.s32 $0xFFFFFFFF;
	p2 =	slt.u32 s8, $0xFFFFF086  }
0x1c: {  	p1 =	slt.u32 s9, $0xF7A;
	s5 =	simm.s32 @!p2 $0x0  }
0x1d: {  	s5 =	simm.s32 @p1 $0x1;
	p0 =	seq.s32 s7, s2  }
0x1e: {  	s7 =	smul.u32 @!p0 $0xF7A, s2;
	p2 =	seq.s32 @!p0 s5, $0x0  }
0x1f: {  	s9 =	smul.u32 $0xF7A, s1;
	s8 =	simm.s32 @!p0 $0x1BF5;
	p2 =	por !p2, p0  }
0x20: {  	[sflag:s8] =	ssyncset.s32 @!p0 $0xFFFFF086;
	s6 =	sadd.s32 @!p0 s3, s7;
	s7 =	simm.s32 @!p0 $0x108  }
0x21: {  	s3 =	sadd.s32 s3, s9;
	s6 =	sadd.s32 @!p0 $0x88, s6;
	s7 =	simm.s32 @p2 $0x1082  }
0x22: {  	[simem:s7], [sflag:s8] =	dma.local @!p0 [hbm:s6], $0xF7A  }
0x23: {  	s9 =	sor.u32 $0xD0000000, s2;
	s6 =	simm.s32 $0x108;
	_ =	swait.ge @!p0 [sflag:s8], $0x0  }
0x24: {  	s3 =	sadd.s32 $0x88, s3;
	s6 =	simm.s32 @!p1 $0x1082;
	[sflag:s4] =	ssyncset.s32 $0xFFFFF086  }
0x25: {  	[simem:s6], [sflag:s4] =	dma.local [hbm:s3], $0xF7A  }
0x26: {  	[smem:$0x3F9C] =	sst s1;
	(tag) =	ssettag s2;
	_ =	strace s9  }
0x27: {  	s1 =	sld [smem:$0x3FAC]  }
0x28: {  	s2 =	sld [smem:$0x3FAD]  }
0x29: {  	s4 =	sld [smem:$0x3FAF]  }
0x2a: {  	p0 =	seq.s32 s5, $0x0;
	s5 =	sld [smem:$0x3FB0]  }
0x2b: {  	s6 =	sld [smem:$0x3FB1]  }
0x2c: {  	s7 =	sld [smem:$0x3FB2]  }
0x2d: {  	s3 =	simm.s32 $0x108;
	s8 =	sld [smem:$0x3FB3]  }
0x2e: {  	s3 =	simm.s32 @!p0 $0x1082;
	s9 =	sld [smem:$0x3FB4]  }
0x2f: {  	lr =	sadd.s32 s0, s3;
	s0 =	sld [smem:$0x3FAB]  }
0x30: {  	s3 =	sld [smem:$0x3FAE]  }
0x31: {  	[smem:$0x3FB7] =	sst s10  }
0x32: {  	s10 =	sld [smem:$0x3FB5];
	_ =	sdelay $0x3  }
0x33: {  	p0 =	seq.s32 s10, $0x1;
	s10 =	sld [smem:$0x3FB7];
	_ =	sdelay $0x3  }
0x34: {  	[smem:$0x3FB7] =	sst s10  }
0x35: {  	s10 =	sld [smem:$0x3FB6];
	_ =	sdelay $0x3  }
0x36: {  	p1 =	seq.s32 s10, $0x1;
	s10 =	sld [smem:$0x3FB7];
	_ =	sdelay $0x3  }
0x37: {  	[smem:$0x3FB7] =	sst s10  }
0x38: {  	s10 =	sld [smem:$0x3FB8]  }
0x39: {  	_ = 	snop;
	(pc) =	sbr.ind lr, $3  }
0x3a: {  	_ = 	snop  }
0x3b: {  	_ = 	snop  }
0x3c: {  	p2 =	seq.s32 s10, $0x1;
	s10 =	sld [smem:$0x3FB7]  }
0x3d: {  	_ =	shalt  }
0x3e: {  	_ =	shalt  }
0x3f: {  	_ =	shalt  }
0x40: {  	_ =	shalt  }
0x41: {  	_ =	shalt  }
0x42: {  	_ =	shalt  }
0x43: {  	_ =	shalt  }
0x44: {  	_ =	shalt  }
0x45: {  	_ =	shalt  }
0x46: {  	_ =	shalt  }
0x47: {  	_ =	shalt  }
0x48: {  	_ =	shalt  }
0x49: {  	_ =	shalt  }
0x4a: {  	_ =	shalt  }
0x4b: {  	_ =	shalt  }
0x4c: {  	_ =	shalt  }
0x4d: {  	_ =	shalt  }
0x4e: {  	_ =	shalt  }
0x4f: {  	_ =	shalt  }
0x50: {  	_ =	shalt  }
0x51: {  	_ =	shalt  }
0x52: {  	_ =	shalt  }
0x53: {  	_ =	shalt  }
0x54: {  	_ =	shalt  }
0x55: {  	_ =	shalt  }
0x56: {  	_ =	shalt  }
0x57: {  	_ =	shalt  }
0x58: {  	_ =	shalt  }
0x59: {  	_ =	shalt  }
0x5a: {  	_ =	shalt  }
0x5b: {  	_ =	shalt  }
0x5c: {  	_ =	shalt  }
0x5d: {  	_ =	shalt  }
0x5e: {  	_ =	shalt  }
0x5f: {  	_ =	shalt  }
0x60: {  	_ =	shalt  }
0x61: {  	_ =	shalt  }
0x62: {  	_ =	shalt  }
0x63: {  	_ =	shalt  }
0x64: {  	_ =	shalt  }
0x65: {  	_ =	shalt  }
0x66: {  	_ =	shalt  }
0x67: {  	_ =	shalt  }
0x68: {  	_ =	shalt  }
0x69: {  	_ =	shalt  }
0x6a: {  	_ =	shalt  }
0x6b: {  	_ =	shalt  }
0x6c: {  	_ =	shalt  }
0x6d: {  	_ =	shalt  }
0x6e: {  	_ =	shalt  }
0x6f: {  	_ =	shalt  }
0x70: {  	_ =	shalt  }
0x71: {  	_ =	shalt  }
0x72: {  	_ =	shalt  }
0x73: {  	_ =	shalt  }
0x74: {  	_ =	shalt  }
0x75: {  	_ =	shalt  }
0x76: {  	_ =	shalt  }
0x77: {  	_ =	shalt  }
0x78: {  	_ =	shalt  }
0x79: {  	_ =	shalt  }
0x7a: {  	_ =	shalt  }
0x7b: {  	_ =	shalt  }
0x7c: {  	_ =	shalt  }
0x7d: {  	_ =	shalt  }
0x7e: {  	_ =	shalt  }
0x7f: {  	_ =	shalt  }
0x80: {  	_ =	shalt  }
0x81: {  	_ =	shalt  }
0x82: {  	_ =	shalt  }
0x83: {  	_ =	shalt  }
0x84: {  	_ =	shalt  }
0x85: {  	_ =	shalt  }
0x86: {  	_ =	shalt  }
0x87: {  	_ =	shalt  }
.Lfunc_end0:
.L_simem_size_0:
called_computation_lowered:
.L_overlay_start_0:
0x88: {  	s2 =	sld [smem:$0x3FD9]  }
0x89: {  	s3 =	sld [smem:$0x3FFE];
	_ =	sdelay $0x1  }
0x8a: {  	s1 =	srdreg.scid  }
0x8b: {  	s0 =	sand.u32 $0x1, s1  }
0x8c: {  	s14 =	sshll.u32 s0, $0xA;
	s2 =	sadd.s32 s3, s2  }
0x8d: {  	s2 =	sadd.s32 s2, s14  }
0x8e: {  	[smem:$0x3FC3] =	sst s2  }
0x8f: {  	_ = 	snop  }
0x90: {  	s2 =	sld [smem:$0x3FD0];
	_ =	sdelay $0x2  }
0x91: {  	s4 =	simm.s32 $0xA;
	s5 =	simm.s32 $0x10;
	s15 =	sld [smem:$0x3FC7]  }
0x92: {  	[smem:s5], [sflag:s4] =	dma.local [hbm:s2], $0x1  }
0x93: {  	_ =	swait.eq [sflag:s4], $0x1  }
0x94: {  	[sflag:s4] =	ssyncset.done $0x0  }
0x95: {  	[sflag:s4] =	ssyncadd.s32 $0xFFFFFFFF  }
0x96: {  	s16 =	sld [smem:$0x12];
	(tm) =	ssettm $0x1  }
0x97: {  	s17 =	sld [smem:$0x3FFB];
	_ =	sdelay $0x3  }
0x98: {  	_ =	strace s17  }
0x99: {  	s4 =	sld [smem:$0x3FFC];
	_ =	sdelay $0x3  }
0x9a: {  	_ =	strace s4  }
0x9b: {  	s4 =	sld [smem:$0x3FFD];
	_ =	sdelay $0x3  }
0x9c: {  	_ =	strace s4  }
0x9d: {  	_ =	strace $0x8FFFFFFF  }
0x9e: {  	s18 =	sld [smem:$0x3FDB];
	_ =	sdelay $0x1  }
0x9f: {  	s19 =	simm.s32 $_scs_section_size  }
0xa0: {  	s6 =	simm.s32 $_size__tile_overlayer_lowered;
	s7 =	simm.s32 $_tile_overlayer_lowered  }
0xa1: {  	s22 =	simm.s32 $0x1BFF;
	s21 =	sshll.u32 s7, $0x1;
	s4 =	sadd.s32 s19, s18  }
0xa2: {  	s8 =	simm.s32 $0x0;
	s20 =	sshll.u32 s6, $0x1;
	s6 =	sadd.s32 s21, s4  }
0xa3: {  	[timem:s8], [sflag:s22] =	dma.local [hbm:s6], s20  }
0xa4: {  	_ =	swait.ge [sflag:s22], s20  }
0xa5: {  	s5 =	ssub.s32 $0x0, s20;
	[sflag:s22] =	ssyncset.done $0x0  }
0xa6: {  	[sflag:s22] =	ssyncadd.s32 s5;
	_ =	sdelay $0x1  }
0xa7: {  	s23 =	simm.s32 $0x1B8B  }
0xa8: {  	_ =	swait.ge [sflag:s23], $0x1  }
0xa9: {  	[sflag:s23] =	ssyncset.done $0x0  }
0xaa: {  	s25 =	simm.s32 $0x1B8E;
	s24 =	sld [smem:$0x3FFE];
	[sflag:s23] =	ssyncadd.s32 $0xFFFFFFFF  }
0xab: {  	s26 =	simm.s32 $execute0_lowered;
	[smem:$0x3FD2] =	sst s25  }
0xac: {  	s6 =	sshll.u32 s26, $0x1;
	_ =	strace $0x80000046;
	[dreg:$0x1] =	wrdreg $0xFFFFFFFF  }
0xad: {  	s28 =	simm.s32 $_size_execute0_lowered;
	s4 =	sadd.s32 s4, s6;
	[dreg:$0x0] =	wrdreg $0x0  }
0xae: {  	s6 =	sshll.u32 s28, $0x1;
	[dreg:$0x2] =	wrdreg s4  }
0xaf: {  	[dreg:$0x3] =	wrdreg s6  }
0xb0: {  	[dreg:$0x4] =	wrdreg $0xC0  }
0xb1: {  	_ =	task [dreg:s8], $0x5FFFF  }
0xb2: {  	[dreg:$0x1] =	wrdreg $0xFFFFFFFF  }
0xb3: {  	[dreg:$0x0] =	wrdreg $0x60  }
0xb4: {  	[dreg:$0x2] =	wrdreg s15  }
0xb5: {  	[dreg:$0x3] =	wrdreg s24  }
0xb6: {  	[dreg:$0x4] =	wrdreg s16  }
0xb7: {  	[dreg:$0x5] =	wrdreg $0x9  }
0xb8: {  	_ =	task.clear_ibuf [dreg:s8], $0x6FFFF;
	_ =	strace $0x90000046  }
0xb9: {  	s29 =	simm.s32 $0x9;
	_ =	strace $0x80000048  }
0xba: {  	_ =	swait.ge [sflag:s29], $0x1  }
0xbb: {  	[sflag:s29] =	ssyncadd.s32 $0xFFFFFFFF  }
0xbc: {  	_ =	strace $0x90000048  }
0xbd: {  	_ =	sfence  }
0xbe: {  	s30 =	sld [smem:$0x0];
	_ =	sdelay $0x2  }
0xbf: {  	s31 =	sshll.u32 s1, $0xD;
	s1 =	sshrl.u32 s1, $0x2  }
0xc0: {  	s3 =	sand.u32 $0x4000, s31;
	s1 =	sadd.s32 s1, s30  }
0xc1: {  	s0 =	sor.u32 s3, s0;
	s1 =	sshll.u32 s1, $0x11  }
0xc2: {  	s0 =	sor.u32 s1, s0  }
0xc3: {  	s0 =	sadd.s32 $0x8F2B, s0  }
0xc4: {  	[sflag:s0] =	ssyncadd.remote.s32 $0x1  }
0xc5: {  	_ =	sfence.sel $0xFFFF  }
0xc6: {  	[dreg:$0x0] =	wrdreg $0xFFFFFFFF;
	(pc) =	sbr.abs _section_cstart, $3  }
0xc7: {  	[dreg:$0x1] =	wrdreg $0xFFFFFFFF  }
0xc8: {  	_ =	task.clear_ibuf [dreg:s8], $0x2FFFF;
	_ =	strace $0x9FFFFFFF  }
0xc9: {  	(tm) =	ssettm $0x7FFFFFFF  }
tec
execute0_lowered:
.L_overlay_start_1:
0x0: {  	(tag) =	ssettag $0x1  }
0x1: {  	s1 =	srdreg.scid  }
0x2: {  	s1 =	sand.u32 $0x1, s1  }
0x3: {  	p0 =	seq.s32 s1, $0x1  }
.Ltmp0:
0x4: {  	s5 =	rddreg [dreg:$0x0];
	(pc) =	sbr.rel @p0 .LBB2_6-.Ltmp0, $4  }
0x5: {  	s2 =	rddreg [dreg:$0x1]  }
0x6: {  	s3 =	rddreg [dreg:$0x2];
	s4 =	simm.s32 $0x0  }
0x7: {  	[smem:$0x7FF] =	sst s4  }
0x8: {  	s0 =	rddreg [dreg:$0x3];
	_ =	strace $0x80000047;
	s1 =	stileid.u32  }
0x9: {  	s4 =	smul.u32 $0xF440, s1;
	s8 =	sshll.u32 s1, $0x7  }
0xa: {  	s7 =	sadd.s32 $0x1000, s2;
	s12 =	simm.s32 $0x40;
	s13 =	simm.s32 $0x0  }
0xb: {  	s31 =	sadd.s32 s8, s2;
	s6 =	sadd.s32 s5, s8;
	s9 =	sshrl.u32 s4, $0x3  }
0xc: {  	s4 =	sadd.s32 s7, s8;
	s2 =	sadd.s32 $0x1800, s31;
	s11 =	sadd.s32 s3, s9  }
0xd: {  	v0 =	vimm.f32 $0.0e+00;
	s10 =	sadd.s32 $0x7A2, s11;
	s9 =	sadd.s32 $0xF44, s11;
	s8 =	sadd.s32 $0x16E6, s11  }
.LBB2_2:
0xe: {  	p0 =	sne.s32 s12, $0xF400;
	[tilespmem:s13+$0x0] =	vst v0;
	s13 =	smov.u32 s12;
	s12 =	sadd.s32 $0x40, s12  }
.Ltmp1:
0xf: {  	(pc) =	sbr.rel @p0 .LBB2_2-.Ltmp1, $2  }
0x10: {  	_ =	sdelay $0x2  }
0x11: {  	s13 =	sshra.s32 s13, $0x2  }
0x12: {  	[tilespmem:s13+$0x0] =	vst v0;
	s12 =	simm.s32 $0x0;
	s25 =	simm.s32 $0x2  }
0x13: {  	[hbm4b:s11+s12] =	stream.linear.scatter [tilespmem:s12], [sflag:$0x2], $0x3D10, $0x38;
	[tilespmem:$0xC980] =	vst v63  }
0x14: {  	_ =	swait.ge [sflag:s25], $0x3D10  }
0x15: {  	[sflag:s25] =	ssyncset.done $0x0  }
0x16: {  	[sflag:s25] =	ssyncadd.s32 $0xFFFFC2F0  }
0x17: {  	[hbm4b:s10+s12] =	stream.linear.scatter [tilespmem:s12], [sflag:$0x2], $0x3D10, $0x38;
	[tilespmem:$0xC980] =	vst v63  }
0x18: {  	_ =	swait.ge [sflag:s25], $0x3D10  }
0x19: {  	[sflag:s25] =	ssyncset.done $0x0  }
0x1a: {  	[sflag:s25] =	ssyncadd.s32 $0xFFFFC2F0  }
0x1b: {  	[hbm4b:s9+s12] =	stream.linear.scatter [tilespmem:s12], [sflag:$0x2], $0x3D10, $0x38;
	[tilespmem:$0xC980] =	vst v63  }
0x1c: {  	_ =	swait.ge [sflag:s25], $0x3D10  }
0x1d: {  	[sflag:s25] =	ssyncset.done $0x0  }
0x1e: {  	[sflag:s25] =	ssyncadd.s32 $0xFFFFC2F0  }
0x1f: {  	[hbm4b:s8+s12] =	stream.linear.scatter [tilespmem:s12], [sflag:$0x2], $0x3D10, $0x38;
	[tilespmem:$0xC980] =	vst v63  }
0x20: {  	_ =	swait.ge [sflag:s25], $0x3D10  }
0x21: {  	[sflag:s25] =	ssyncset.done $0x0  }
0x22: {  	p0 =	sne.s32 s1, $0x0;
	[sflag:s25] =	ssyncadd.s32 $0xFFFFC2F0  }
0x23: {  	s9 =	simm.s32 @!p0 $0x3D80;
	s8 =	simm.s32 @!p0 $0x0;
	[bflag:$0x0] =	sbarrier.arrive $0xFFFF  }
0x24: {  	[tilespmem:s9], [sflag:$0x2] =	stream.linear.gather @!p0 [hbm4b:s5+s8], $0x4000, $0x38;
	[tilespmem:$0xC980] =	vst v63  }
0x25: {  	s5 =	simm.s32 @!p0 $0x2  }
0x26: {  	_ =	swait.ge @!p0 [sflag:s5], $0x4000  }
0x27: {  	[sflag:s5] =	ssyncset.done @!p0 $0x0  }
0x28: {  	s10 =	simm.s32 @!p0 $0x7D80;
	[sflag:s5] =	ssyncadd.s32 @!p0 $0xFFFFC000  }
0x29: {  	[tilespmem:s10], [sflag:$0x2] =	stream.linear.gather @!p0 [hbm4b:s7+s8], $0x4000, $0x38;
	[tilespmem:$0xC980] =	vst v63  }
0x2a: {  	_ =	swait.ge @!p0 [sflag:s5], $0x4000  }
0x2b: {  	[sflag:s5] =	ssyncset.done @!p0 $0x0  }
0x2c: {  	[sflag:s5] =	ssyncadd.s32 @!p0 $0xFFFFC000;
	s5 =	simm.s32 @!p0 $0x4000  }
0x2d: {  	[hbm4b:s3+s5] =	stream.indirect.scatter @!p0 [tilespmem:s10], [sflag:$0x1], $0x1, s9, s5, $0xb8;
	[tilespmem:$0xC980] =	vst v63  }
0x2e: {  	s5 =	simm.s32 @!p0 $0x1  }
0x2f: {  	_ =	swait.ge @!p0 [sflag:s5], $0x4000  }
0x30: {  	[sflag:s5] =	ssyncset.done @!p0 $0x0  }
0x31: {  	[sflag:s5] =	ssyncadd.s32 @!p0 $0xFFFFC000  }
0x32: {  	s26 =	simm.s32 $0xBD80;
	[bflag:$0x0] =	sbarrier.arrive $0xFFFF  }
0x33: {  	[tilespmem:s26], [sflag:$0x2] =	stream.linear.gather [hbm4b:s6+s12], $0x400, $0x38;
	[tilespmem:$0xC980] =	vst v63  }
0x34: {  	_ =	swait.ge [sflag:s25], $0x400  }
0x35: {  	s28 =	simm.s32 $0x400;
	[sflag:s25] =	ssyncset.done $0x0  }
0x36: {  	s29 =	simm.s32 $0xC180;
	s30 =	simm.s32 $0x1;
	[sflag:s25] =	ssyncadd.s32 $0xFFFFFC00  }
0x37: {  	[tilespmem:s29], [sflag:$0x1] =	stream.indirect.gather [hbm4b:s3+s28], $0x1, s26, s28, $0xb8;
	[tilespmem:$0xC980] =	vst v63  }
0x38: {  	_ =	swait.ge [sflag:s30], $0x400  }
0x39: {  	[sflag:s30] =	ssyncset.done $0x0  }
0x3a: {  	s31 =	simm.s32 $0xC580;
	[sflag:s30] =	ssyncadd.s32 $0xFFFFFC00  }
0x3b: {  	[tilespmem:s31], [sflag:$0x2] =	stream.linear.gather [hbm4b:s4+s12], $0x400, $0x38;
	[tilespmem:$0xC980] =	vst v63  }
0x3c: {  	_ =	swait.ge [sflag:s25], $0x400  }
0x3d: {  	[sflag:s25] =	ssyncset.done $0x0  }
0x3e: {  	s3 =	simm.s32 $0x0;
	[sflag:s25] =	ssyncadd.s32 $0xFFFFFC00  }
0x3f: {  	v0 =	vimm.f32 $0.0e+00;
	s4 =	simm.s32 $0x40;
	v1 =	vld [tilespmem:s3+$0xC180]  }
.LBB2_4:
0x40: {  	p0 =	sne.s32 s4, $0xFC0;
	v2 =	vld [tilespmem:s3+$0xC580];
	_ =	sdelay $0x2  }
.Ltmp2:
0x41: {  	(pc) =	sbr.rel @p0 .LBB2_4-.Ltmp2, $4  }
0x42: {  	_ = 	snop  }
0x43: {  	vm0 =	veq.f32 v1, v2  }
0x44: {  	s5 =	sshra.s32 s4, $0x2;
	v2 =	vsel vm0, $0x3F800000, v0  }
0x45: {  	s4 =	sadd.s32 $0x40, s4;
	v1 =	vld [tilespmem:s5+$0xC180];
	[tilespmem:s3+$0xC580] =	vst v2;
	s3 =	smov.u32 s5  }
0x46: {  	v2 =	vld [tilespmem:s3+$0xC580];
	_ =	sdelay $0x4  }
0x47: {  	vm0 =	veq.f32 v1, v2  }
0x48: {  	v0 =	vsel vm0, $0x3F800000, v0  }
0x49: {  	s30 =	simm.s32 $0x0;
	s4 =	simm.s32 $0xC580;
	s31 =	simm.s32 $0x2;
	[tilespmem:s3+$0xC580] =	vst v0  }
0x4a: {  	[hbm4b:s2+s30] =	stream.linear.scatter [tilespmem:s4], [sflag:$0x2], $0x400, $0x38;
	[tilespmem:$0xC980] =	vst v63  }
0x4b: {  	_ =	swait.ge [sflag:s31], $0x400  }
0x4c: {  	[sflag:s31] =	ssyncset.done $0x0  }
0x4d: {  	[sflag:s31] =	ssyncadd.s32 $0xFFFFFC00  }
.LBB2_6:
0x4e: {  	_ =	sfence.sel $0x180000  }
0x4f: {  	[bflag:$0x0] =	sbarrier.arrive $0xFFFF  }
0x50: {  	p0 =	sne.s32 s1, $0x0;
	_ =	strace $0x90000047  }
0x51: {  	s0 =	sadd.s32 @!p0 $0x100000, s0;
	[bflag:$0x2] =	sbarrier.arrive $0xFFFF  }
0x52: {  	[sflag:s0] =	ssyncadd.tile.s32 @!p0 $0x1;
	_ =	shalt  }
.Lfunc_end2:
_tile_overlayer_lowered:
.L_overlay_start_2:
0x53: {  	(tag) =	ssettag $0x2  }
0x54: {  	s0 =	rddreg [dreg:$0x0];
	s2 =	stileid.u32  }
0x55: {  	s1 =	rddreg [dreg:$0x1];
	p0 =	sne.s32 s2, $0x0  }
0x56: {  	s3 =	rddreg [dreg:$0x2];
	[bflag:$0x3] =	sbarrier.arrive $0xFFFF;
	s2 =	simm.s32 @!p0 $0x1C02  }
0x57: {  	[timem:s3], [sflag:s2] =	dma.local @!p0 [hbm:s0], s1  }
0x58: {  	s0 =	simm.s32 @!p0 $0x2  }
0x59: {  	_ =	swait.ge @!p0 [sflag:s0], s1  }
0x5a: {  	s1 =	ssub.s32 @!p0 $0x0, s1;
	[sflag:s0] =	ssyncset.done @!p0 $0x0  }
0x5b: {  	[sflag:s0] =	ssyncadd.s32 @!p0 s1  }
0x5c: {  	[bflag:$0x3] =	sbarrier.arrive $0xFFFF  }
0x5d: {  	_ =	shalt  }

</sc_bundles>
